<compile_context>
chip_gen: v7x
topology: tpu7x:2x2x1
jax: 0.10.2.dev20260603
libtpu: 0.0.44.dev20260713+nightly
codegen_flags: <defaults>
</compile_context>

<pallas_src>
import functools

import jax
import jax.numpy as jnp
from jax import lax
from jax.experimental import pallas as pl
from jax.experimental.pallas import tpu as pltpu
from jax.experimental.pallas import tpu_sc as plsc

N_EMBD = 768
EXPERT_DIM = 1536
NUM_EXPERTS = 64
TOP_K = 2

N_TOK = 2048
BT = 128
MAX_TILES = 96
ROWS = MAX_TILES * BT
NW = 32
TPW = N_TOK // NW
LANES = 16

_mesh = plsc.VectorSubcoreMesh(core_axis_name="c", subcore_axis_name="s")


def _router_body(x_ref, wg_ref, w0_ref, w1_ref, oh0_ref, oh1_ref):
    x = x_ref[...]
    wg = wg_ref[...]
    logits = lax.dot_general(
        x.astype(jnp.bfloat16), wg.astype(jnp.bfloat16),
        (((1,), (1,)), ((), ())),
        preferred_element_type=jnp.float32)
    p = jax.nn.softmax(logits, axis=-1)
    m1 = jnp.max(p, axis=-1)
    a1 = jnp.argmax(p, axis=-1).astype(jnp.int32)
    e_iota = lax.broadcasted_iota(jnp.int32, p.shape, 1)
    p2 = jnp.where(e_iota == a1[:, None], -jnp.inf, p)
    m2 = jnp.max(p2, axis=-1)
    a2 = jnp.argmax(p2, axis=-1).astype(jnp.int32)
    denom = m1 + m2 + 1e-8
    w0_ref[...] = (m1 / denom)[:, None]
    w1_ref[...] = (m2 / denom)[:, None]
    oh0_ref[...] = (e_iota == a1[:, None]).astype(jnp.bfloat16)
    oh1_ref[...] = (e_iota == a2[:, None]).astype(jnp.bfloat16)


def _router(flat_x, Wg):
    return pl.pallas_call(
        _router_body,
        out_shape=[
            jax.ShapeDtypeStruct((N_TOK, 1), jnp.float32),
            jax.ShapeDtypeStruct((N_TOK, 1), jnp.float32),
            jax.ShapeDtypeStruct((N_TOK, NUM_EXPERTS), jnp.bfloat16),
            jax.ShapeDtypeStruct((N_TOK, NUM_EXPERTS), jnp.bfloat16),
        ],
    )(flat_x, Wg)


def _plan_body(oh0_ref, oh1_ref, oh0b_ref, oh1b_ref,
               pos0_ref, pos1_ref, te_ref, txg_ref, tout_ref):
    b = pl.program_id(0)
    oh0 = oh0_ref[...]
    oh1 = oh1_ref[...]
    tot0 = jnp.sum(oh0.astype(jnp.float32), axis=0)
    cnt = tot0 + jnp.sum(oh1.astype(jnp.float32), axis=0)
    pc = jnp.floor((cnt + (BT - 1)) / BT) * BT
    ei = lax.broadcasted_iota(jnp.int32, (NUM_EXPERTS, NUM_EXPERTS), 0)
    ej = lax.broadcasted_iota(jnp.int32, (NUM_EXPERTS, NUM_EXPERTS), 1)
    trilE = (ej < ei).astype(jnp.bfloat16)
    base = lax.dot_general(
        trilE, pc.astype(jnp.bfloat16), (((1,), (0,)), ((), ())),
        preferred_element_type=jnp.float32)

    ri = lax.broadcasted_iota(jnp.int32, (BT, N_TOK), 0)
    cj = lax.broadcasted_iota(jnp.int32, (BT, N_TOK), 1)
    tril = (cj < b * BT + ri).astype(jnp.bfloat16)
    c0 = lax.dot_general(
        tril, oh0, (((1,), (0,)), ((), ())),
        preferred_element_type=jnp.float32)
    c1 = lax.dot_general(
        tril, oh1, (((1,), (0,)), ((), ())),
        preferred_element_type=jnp.float32)
    ohb0 = oh0b_ref[...].astype(jnp.float32)
    ohb1 = oh1b_ref[...].astype(jnp.float32)
    pos0 = jnp.sum((c0 + base[None, :]) * ohb0, axis=1)
    pos1 = jnp.sum((c1 + tot0[None, :] + base[None, :]) * ohb1, axis=1)
    pos0_ref[...] = pos0.astype(jnp.int32)[:, None]
    pos1_ref[...] = pos1.astype(jnp.int32)[:, None]

    @pl.when(b == 0)
    def _():
        bt_tile = base / BT
        ti = lax.broadcasted_iota(
            jnp.int32, (MAX_TILES, NUM_EXPERTS), 0).astype(jnp.float32)
        te = jnp.sum((bt_tile[None, :] <= ti).astype(jnp.float32),
                     axis=1) - 1.0
        te_ref[...] = te.astype(jnp.int32)[:, None]
        tt = jnp.sum(pc) / BT
        tf = lax.broadcasted_iota(
            jnp.int32, (MAX_TILES, 1), 0).astype(jnp.float32)
        valid = tf < tt
        txg_ref[...] = jnp.where(valid, tf, tt - 1.0).astype(jnp.int32)
        tout_ref[...] = jnp.where(
            valid, tf, float(MAX_TILES - 1)).astype(jnp.int32)


def _plan(oh0, oh1):
    nblk = N_TOK // BT
    return pl.pallas_call(
        _plan_body,
        grid=(nblk,),
        in_specs=[
            pl.BlockSpec((N_TOK, NUM_EXPERTS), lambda b: (0, 0)),
            pl.BlockSpec((N_TOK, NUM_EXPERTS), lambda b: (0, 0)),
            pl.BlockSpec((BT, NUM_EXPERTS), lambda b: (b, 0)),
            pl.BlockSpec((BT, NUM_EXPERTS), lambda b: (b, 0)),
        ],
        out_specs=[
            pl.BlockSpec((BT, 1), lambda b: (b, 0)),
            pl.BlockSpec((BT, 1), lambda b: (b, 0)),
            pl.BlockSpec((MAX_TILES, 1), lambda b: (0, 0)),
            pl.BlockSpec((MAX_TILES, 1), lambda b: (0, 0)),
            pl.BlockSpec((MAX_TILES, 1), lambda b: (0, 0)),
        ],
        out_shape=[
            jax.ShapeDtypeStruct((N_TOK, 1), jnp.int32),
            jax.ShapeDtypeStruct((N_TOK, 1), jnp.int32),
            jax.ShapeDtypeStruct((MAX_TILES, 1), jnp.int32),
            jax.ShapeDtypeStruct((MAX_TILES, 1), jnp.int32),
            jax.ShapeDtypeStruct((MAX_TILES, 1), jnp.int32),
        ],
    )(oh0, oh1, oh0, oh1)


def _scatter_body(x_hbm, pos0_hbm, pos1_hbm, xg_hbm, pidx0, pidx1, xv, sem):
    c = lax.axis_index("c")
    s = lax.axis_index("s")
    g = c * 16 + s
    base = g * TPW
    pltpu.sync_copy(pos0_hbm.at[pl.ds(base, TPW)], pidx0)
    pltpu.sync_copy(pos1_hbm.at[pl.ds(base, TPW)], pidx1)
    pltpu.sync_copy(x_hbm.at[pl.ds(base, TPW), :], xv)
    pltpu.async_copy(xv, xg_hbm.at[pidx0], sem).wait()
    pltpu.async_copy(xv, xg_hbm.at[pidx1], sem).wait()


@functools.partial(
    pl.kernel, mesh=_mesh,
    out_type=[jax.ShapeDtypeStruct((ROWS, N_EMBD), jnp.float32)],
    scratch_types=[
        pltpu.VMEM((TPW,), jnp.int32),
        pltpu.VMEM((TPW,), jnp.int32),
        pltpu.VMEM((TPW, N_EMBD), jnp.float32),
        pltpu.SemaphoreType.DMA,
    ],
)
def _scatter(x_hbm, pos0_hbm, pos1_hbm, xg_hbm, *scratch):
    _scatter_body(x_hbm, pos0_hbm, pos1_hbm, xg_hbm, *scratch)


def _gemm_body(te_ref, txg_ref, tout_ref, xg_ref, wfc_ref, wpr_ref,
               yo_ref):
    xb = xg_ref[...].astype(jnp.bfloat16)
    wfc = wfc_ref[0].astype(jnp.bfloat16)
    h = lax.dot_general(
        xb, wfc, (((1,), (1,)), ((), ())),
        preferred_element_type=jnp.float32)
    h = jnp.square(jnp.maximum(h, 0.0)).astype(jnp.bfloat16)
    wpr = wpr_ref[0].astype(jnp.bfloat16)
    yo_ref[...] = lax.dot_general(
        h, wpr, (((1,), (1,)), ((), ())),
        preferred_element_type=jnp.float32)


def _gemm(te, txg, tout, xg, W_fc, W_proj):
    grid_spec = pltpu.PrefetchScalarGridSpec(
        num_scalar_prefetch=3,
        grid=(MAX_TILES,),
        in_specs=[
            pl.BlockSpec((BT, N_EMBD), lambda t, te, txg, tout: (txg[t], 0)),
            pl.BlockSpec((1, EXPERT_DIM, N_EMBD),
                         lambda t, te, txg, tout: (te[t], 0, 0)),
            pl.BlockSpec((1, N_EMBD, EXPERT_DIM),
                         lambda t, te, txg, tout: (te[t], 0, 0)),
        ],
        out_specs=pl.BlockSpec(
            (BT, N_EMBD), lambda t, te, txg, tout: (tout[t], 0)),
    )
    return pl.pallas_call(
        _gemm_body,
        grid_spec=grid_spec,
        out_shape=jax.ShapeDtypeStruct((ROWS, N_EMBD), jnp.float32),
    )(te, txg, tout, xg, W_fc, W_proj)


def _gather_body(yo_hbm, pos0_hbm, pos1_hbm, y0_hbm, y1_hbm,
                 pidx0, pidx1, buf0, buf1, sem):
    c = lax.axis_index("c")
    s = lax.axis_index("s")
    g = c * 16 + s
    base = g * TPW
    pltpu.sync_copy(pos0_hbm.at[pl.ds(base, TPW)], pidx0)
    pltpu.sync_copy(pos1_hbm.at[pl.ds(base, TPW)], pidx1)
    pltpu.async_copy(yo_hbm.at[pidx0], buf0, sem).wait()
    pltpu.async_copy(yo_hbm.at[pidx1], buf1, sem).wait()
    pltpu.sync_copy(buf0, y0_hbm.at[pl.ds(base, TPW), :])
    pltpu.sync_copy(buf1, y1_hbm.at[pl.ds(base, TPW), :])


@functools.partial(
    pl.kernel, mesh=_mesh,
    out_type=[
        jax.ShapeDtypeStruct((N_TOK, N_EMBD), jnp.float32),
        jax.ShapeDtypeStruct((N_TOK, N_EMBD), jnp.float32),
    ],
    scratch_types=[
        pltpu.VMEM((TPW,), jnp.int32),
        pltpu.VMEM((TPW,), jnp.int32),
        pltpu.VMEM((TPW, N_EMBD), jnp.float32),
        pltpu.VMEM((TPW, N_EMBD), jnp.float32),
        pltpu.SemaphoreType.DMA,
    ],
)
def _gather(yo_hbm, pos0_hbm, pos1_hbm, y0_hbm, y1_hbm, *scratch):
    _gather_body(yo_hbm, pos0_hbm, pos1_hbm, y0_hbm, y1_hbm, *scratch)


def _combine_body(y0_ref, y1_ref, w0_ref, w1_ref, out_ref):
    out_ref[...] = (y0_ref[...] * w0_ref[...]
                    + y1_ref[...] * w1_ref[...])


def _combine(y0, y1, w0, w1):
    return pl.pallas_call(
        _combine_body,
        out_shape=jax.ShapeDtypeStruct((N_TOK, N_EMBD), jnp.float32),
    )(y0, y1, w0, w1)


def kernel(x, Wg, W_fc, W_proj):
    B, T, D = x.shape
    flat_x = x.reshape(N_TOK, D)
    w0, w1, oh0, oh1 = _router(flat_x, Wg)
    pos0, pos1, te, txg, tout = _plan(oh0, oh1)
    xg, = _scatter(flat_x, pos0.reshape(N_TOK), pos1.reshape(N_TOK))
    yo = _gemm(te.reshape(MAX_TILES), txg.reshape(MAX_TILES),
               tout.reshape(MAX_TILES), xg, W_fc, W_proj)
    y0, y1 = _gather(yo, pos0.reshape(N_TOK), pos1.reshape(N_TOK))
    out = _combine(y0, y1, w0, w1)
    return out.reshape(B, T, D)

# --- scband reference (transcript-rebuilt; emitter-appended) ---
"""Pipeline reference for scband-mo-emlp-11390253269162 (READ-ONLY COPY).

The authoritative reference and input builder live on the scoring server;
editing this copy changes nothing except your own understanding.
"""

import jax, jax.numpy as jnp
import numpy as np

N_EMBD = 768
EXPERT_DIM = 1536
NUM_EXPERTS = 64
TOP_K = 2


def setup_inputs(seed: int = 0) -> dict:
    key = jax.random.key(seed)
    k_x, k_g, k_fc, k_pr = jax.random.split(key, 4)
    x = jax.random.normal(k_x, (1, 2048, N_EMBD), dtype=jnp.float32)
    Wg = jax.random.normal(k_g, (NUM_EXPERTS, N_EMBD), dtype=jnp.float32) * 0.02
    W_fc = jax.random.normal(k_fc, (NUM_EXPERTS, EXPERT_DIM, N_EMBD), dtype=jnp.float32) * 0.02
    W_proj = jax.random.normal(k_pr, (NUM_EXPERTS, N_EMBD, EXPERT_DIM), dtype=jnp.float32) * 0.02
    return {"x": x, "Wg": Wg, "W_fc": W_fc, "W_proj": W_proj}


def reference(x, Wg, W_fc, W_proj):
    B, T, D = x.shape
    flat_x = x.reshape(-1, D)
    router_logits = flat_x @ Wg.T  # [N, E]
    routing_weights = jax.nn.softmax(router_logits, axis=-1)
    top_weights, top_indices = jax.lax.top_k(routing_weights, TOP_K)
    top_weights = top_weights / (top_weights.sum(axis=-1, keepdims=True) + 1e-08)
    out = jnp.zeros_like(flat_x)
    for k_idx in range(TOP_K):
        for e in range(NUM_EXPERTS):
            mask = top_indices[:, k_idx] == e
            h = flat_x @ W_fc[e].T
            h = jnp.square(jax.nn.relu(h))
            yo = h @ W_proj[e].T
            w = jnp.where(mask, top_weights[:, k_idx], 0.0)[:, None]
            out = out + yo * w
    return out.reshape(B, T, D)

if __name__ == "__main__":
    import jax
    _d = setup_inputs()
    print(jax.jit(kernel)(*tuple(_d.values())))

</pallas_src>

<mosaic_0001>
#map = affine_map<(d0, d1) -> (0, 0)>
#map1 = affine_map<(d0, d1) -> (0)>
module attributes {stable_mosaic.version = 14 : i64} {
  func.func @_scatter(%arg0: i32, %arg1: i32, %arg2: memref<2048x768xf32, #tpu.memory_space<hbm>>, %arg3: memref<2048xi32, #tpu.memory_space<hbm>>, %arg4: memref<2048xi32, #tpu.memory_space<hbm>>, %arg5: memref<12288x768xf32, #tpu.memory_space<hbm>>, %arg6: memref<64xi32, #tpu.memory_space<vmem>>, %arg7: memref<64xi32, #tpu.memory_space<vmem>>, %arg8: memref<64x768xf32, #tpu.memory_space<vmem>>, %arg9: memref<!tpu.dma_semaphore, #tpu.memory_space<semaphore_mem>>) attributes {dimension_semantics = [#tpu.dimension_semantics<core_parallel>, #tpu.dimension_semantics<subcore_parallel>], iteration_bounds = array<i64: 2, 16>, scalar_prefetch = 0 : i64, scratch_operands = 4 : i64, tpu.core_type = #tpu.core_type<sc_vector_subcore>, window_params = [{transform_indices = #map}, {transform_indices = #map1}, {transform_indices = #map1}, {transform_indices = #map}]} {
    %mul3A = arith.constant 16 : i32
    %mul3A_0 = arith.muli %arg0, %mul3A : i32
    %add3A = arith.addi %mul3A_0, %arg1 : i32
    %mul3A_1 = arith.constant 64 : i32
    %mul3A_2 = arith.muli %add3A, %mul3A_1 : i32
    "tpu.region"() ({
      %run_scoped3A = tpu.sem_alloc : memref<!tpu.dma_semaphore, #tpu.memory_space<semaphore_mem>>
      %dma_start3A_13 = tpu.memref_slice %arg3[%mul3A_2] : memref<2048xi32, #tpu.memory_space<hbm>> -> memref<64xi32, #tpu.memory_space<hbm>>
      %dma_start3A_14 = tpu.memref_slice %arg3[%mul3A_2] : memref<2048xi32, #tpu.memory_space<hbm>> -> memref<64xi32, #tpu.memory_space<hbm>>
      tpu.enqueue_dma source(%dma_start3A_14 : memref<64xi32, #tpu.memory_space<hbm>>) target(%arg6 : memref<64xi32, #tpu.memory_space<vmem>>) target_semaphore(%run_scoped3A : memref<!tpu.dma_semaphore, #tpu.memory_space<semaphore_mem>>)
      %dma_wait3A_15 = tpu.memref_slice %arg3[%mul3A_2] : memref<2048xi32, #tpu.memory_space<hbm>> -> memref<64xi32, #tpu.memory_space<hbm>>
      %dma_wait3A_16 = tpu.memref_slice %arg3[%mul3A_2] : memref<2048xi32, #tpu.memory_space<hbm>> -> memref<64xi32, #tpu.memory_space<hbm>>
      tpu.wait_dma2 semaphore(%run_scoped3A : memref<!tpu.dma_semaphore, #tpu.memory_space<semaphore_mem>>) src(%dma_wait3A_16 : memref<64xi32, #tpu.memory_space<hbm>>) dst(%arg6 : memref<64xi32, #tpu.memory_space<vmem>>)
      tpu.yield
    }) : () -> ()
    "tpu.region"() ({
      %run_scoped3A = tpu.sem_alloc : memref<!tpu.dma_semaphore, #tpu.memory_space<semaphore_mem>>
      %dma_start3A_13 = tpu.memref_slice %arg4[%mul3A_2] : memref<2048xi32, #tpu.memory_space<hbm>> -> memref<64xi32, #tpu.memory_space<hbm>>
      %dma_start3A_14 = tpu.memref_slice %arg4[%mul3A_2] : memref<2048xi32, #tpu.memory_space<hbm>> -> memref<64xi32, #tpu.memory_space<hbm>>
      tpu.enqueue_dma source(%dma_start3A_14 : memref<64xi32, #tpu.memory_space<hbm>>) target(%arg7 : memref<64xi32, #tpu.memory_space<vmem>>) target_semaphore(%run_scoped3A : memref<!tpu.dma_semaphore, #tpu.memory_space<semaphore_mem>>)
      %dma_wait3A_15 = tpu.memref_slice %arg4[%mul3A_2] : memref<2048xi32, #tpu.memory_space<hbm>> -> memref<64xi32, #tpu.memory_space<hbm>>
      %dma_wait3A_16 = tpu.memref_slice %arg4[%mul3A_2] : memref<2048xi32, #tpu.memory_space<hbm>> -> memref<64xi32, #tpu.memory_space<hbm>>
      tpu.wait_dma2 semaphore(%run_scoped3A : memref<!tpu.dma_semaphore, #tpu.memory_space<semaphore_mem>>) src(%dma_wait3A_16 : memref<64xi32, #tpu.memory_space<hbm>>) dst(%arg7 : memref<64xi32, #tpu.memory_space<vmem>>)
      tpu.yield
    }) : () -> ()
    "tpu.region"() ({
      %run_scoped3A = tpu.sem_alloc : memref<!tpu.dma_semaphore, #tpu.memory_space<semaphore_mem>>
      %dma_start3A_13 = arith.constant 0 : i32
      %dma_start3A_14 = tpu.memref_slice %arg2[%mul3A_2, %dma_start3A_13] : memref<2048x768xf32, #tpu.memory_space<hbm>> -> memref<64x768xf32, #tpu.memory_space<hbm>>
      %dma_start3A_15 = arith.constant 0 : i32
      %dma_start3A_16 = tpu.memref_slice %arg2[%mul3A_2, %dma_start3A_15] : memref<2048x768xf32, #tpu.memory_space<hbm>> -> memref<64x768xf32, #tpu.memory_space<hbm>>
      tpu.enqueue_dma source(%dma_start3A_16 : memref<64x768xf32, #tpu.memory_space<hbm>>) target(%arg8 : memref<64x768xf32, #tpu.memory_space<vmem>>) target_semaphore(%run_scoped3A : memref<!tpu.dma_semaphore, #tpu.memory_space<semaphore_mem>>)
      %dma_wait3A_17 = arith.constant 0 : i32
      %dma_wait3A_18 = tpu.memref_slice %arg2[%mul3A_2, %dma_wait3A_17] : memref<2048x768xf32, #tpu.memory_space<hbm>> -> memref<64x768xf32, #tpu.memory_space<hbm>>
      %dma_wait3A_19 = arith.constant 0 : i32
      %dma_wait3A_20 = tpu.memref_slice %arg2[%mul3A_2, %dma_wait3A_19] : memref<2048x768xf32, #tpu.memory_space<hbm>> -> memref<64x768xf32, #tpu.memory_space<hbm>>
      tpu.wait_dma2 semaphore(%run_scoped3A : memref<!tpu.dma_semaphore, #tpu.memory_space<semaphore_mem>>) src(%dma_wait3A_20 : memref<64x768xf32, #tpu.memory_space<hbm>>) dst(%arg8 : memref<64x768xf32, #tpu.memory_space<vmem>>)
      tpu.yield
    }) : () -> ()
    %dma_start3A = arith.constant 0 : i32
    %dma_start3A_3 = arith.constant 0 : i32
    %dma_start3A_4 = tpu.memref_slice %arg5[%dma_start3A, %dma_start3A_3] : memref<12288x768xf32, #tpu.memory_space<hbm>> -> memref<12288x768xf32, #tpu.memory_space<hbm>>
    tpu.enqueue_indirect_dma source(%arg8 : memref<64x768xf32, #tpu.memory_space<vmem>>) target(%dma_start3A_4 : memref<12288x768xf32, #tpu.memory_space<hbm>>) offsets(%arg6 : memref<64xi32, #tpu.memory_space<vmem>>) semaphore(%arg9 : memref<!tpu.dma_semaphore, #tpu.memory_space<semaphore_mem>>)
    %dma_wait3A = arith.constant 0 : i32
    %dma_wait3A_5 = arith.constant 0 : i32
    %dma_wait3A_6 = tpu.memref_slice %arg5[%dma_wait3A, %dma_wait3A_5] : memref<12288x768xf32, #tpu.memory_space<hbm>> -> memref<12288x768xf32, #tpu.memory_space<hbm>>
    tpu.wait_indirect_dma semaphore(%arg9 : memref<!tpu.dma_semaphore, #tpu.memory_space<semaphore_mem>>) src(%arg8 : memref<64x768xf32, #tpu.memory_space<vmem>>) dst(%dma_wait3A_6 : memref<12288x768xf32, #tpu.memory_space<hbm>>)
    %dma_start3A_7 = arith.constant 0 : i32
    %dma_start3A_8 = arith.constant 0 : i32
    %dma_start3A_9 = tpu.memref_slice %arg5[%dma_start3A_7, %dma_start3A_8] : memref<12288x768xf32, #tpu.memory_space<hbm>> -> memref<12288x768xf32, #tpu.memory_space<hbm>>
    tpu.enqueue_indirect_dma source(%arg8 : memref<64x768xf32, #tpu.memory_space<vmem>>) target(%dma_start3A_9 : memref<12288x768xf32, #tpu.memory_space<hbm>>) offsets(%arg7 : memref<64xi32, #tpu.memory_space<vmem>>) semaphore(%arg9 : memref<!tpu.dma_semaphore, #tpu.memory_space<semaphore_mem>>)
    %dma_wait3A_10 = arith.constant 0 : i32
    %dma_wait3A_11 = arith.constant 0 : i32
    %dma_wait3A_12 = tpu.memref_slice %arg5[%dma_wait3A_10, %dma_wait3A_11] : memref<12288x768xf32, #tpu.memory_space<hbm>> -> memref<12288x768xf32, #tpu.memory_space<hbm>>
    tpu.wait_indirect_dma semaphore(%arg9 : memref<!tpu.dma_semaphore, #tpu.memory_space<semaphore_mem>>) src(%arg8 : memref<64x768xf32, #tpu.memory_space<vmem>>) dst(%dma_wait3A_12 : memref<12288x768xf32, #tpu.memory_space<hbm>>)
    return
  }
}

#map = affine_map<(d0, d1) -> (0, 0)>
#map1 = affine_map<(d0, d1) -> (0)>
module attributes {stable_mosaic.version = 14 : i64} {
  func.func @_gather(%arg0: i32, %arg1: i32, %arg2: memref<12288x768xf32, #tpu.memory_space<hbm>>, %arg3: memref<2048xi32, #tpu.memory_space<hbm>>, %arg4: memref<2048xi32, #tpu.memory_space<hbm>>, %arg5: memref<2048x768xf32, #tpu.memory_space<hbm>>, %arg6: memref<2048x768xf32, #tpu.memory_space<hbm>>, %arg7: memref<64xi32, #tpu.memory_space<vmem>>, %arg8: memref<64xi32, #tpu.memory_space<vmem>>, %arg9: memref<64x768xf32, #tpu.memory_space<vmem>>, %arg10: memref<64x768xf32, #tpu.memory_space<vmem>>, %arg11: memref<!tpu.dma_semaphore, #tpu.memory_space<semaphore_mem>>) attributes {dimension_semantics = [#tpu.dimension_semantics<core_parallel>, #tpu.dimension_semantics<subcore_parallel>], iteration_bounds = array<i64: 2, 16>, scalar_prefetch = 0 : i64, scratch_operands = 5 : i64, tpu.core_type = #tpu.core_type<sc_vector_subcore>, window_params = [{transform_indices = #map}, {transform_indices = #map1}, {transform_indices = #map1}, {transform_indices = #map}, {transform_indices = #map}]} {
    %mul3A = arith.constant 16 : i32
    %mul3A_0 = arith.muli %arg0, %mul3A : i32
    %add3A = arith.addi %mul3A_0, %arg1 : i32
    %mul3A_1 = arith.constant 64 : i32
    %mul3A_2 = arith.muli %add3A, %mul3A_1 : i32
    "tpu.region"() ({
      %run_scoped3A = tpu.sem_alloc : memref<!tpu.dma_semaphore, #tpu.memory_space<semaphore_mem>>
      %dma_start3A_13 = tpu.memref_slice %arg3[%mul3A_2] : memref<2048xi32, #tpu.memory_space<hbm>> -> memref<64xi32, #tpu.memory_space<hbm>>
      %dma_start3A_14 = tpu.memref_slice %arg3[%mul3A_2] : memref<2048xi32, #tpu.memory_space<hbm>> -> memref<64xi32, #tpu.memory_space<hbm>>
      tpu.enqueue_dma source(%dma_start3A_14 : memref<64xi32, #tpu.memory_space<hbm>>) target(%arg7 : memref<64xi32, #tpu.memory_space<vmem>>) target_semaphore(%run_scoped3A : memref<!tpu.dma_semaphore, #tpu.memory_space<semaphore_mem>>)
      %dma_wait3A_15 = tpu.memref_slice %arg3[%mul3A_2] : memref<2048xi32, #tpu.memory_space<hbm>> -> memref<64xi32, #tpu.memory_space<hbm>>
      %dma_wait3A_16 = tpu.memref_slice %arg3[%mul3A_2] : memref<2048xi32, #tpu.memory_space<hbm>> -> memref<64xi32, #tpu.memory_space<hbm>>
      tpu.wait_dma2 semaphore(%run_scoped3A : memref<!tpu.dma_semaphore, #tpu.memory_space<semaphore_mem>>) src(%dma_wait3A_16 : memref<64xi32, #tpu.memory_space<hbm>>) dst(%arg7 : memref<64xi32, #tpu.memory_space<vmem>>)
      tpu.yield
    }) : () -> ()
    "tpu.region"() ({
      %run_scoped3A = tpu.sem_alloc : memref<!tpu.dma_semaphore, #tpu.memory_space<semaphore_mem>>
      %dma_start3A_13 = tpu.memref_slice %arg4[%mul3A_2] : memref<2048xi32, #tpu.memory_space<hbm>> -> memref<64xi32, #tpu.memory_space<hbm>>
      %dma_start3A_14 = tpu.memref_slice %arg4[%mul3A_2] : memref<2048xi32, #tpu.memory_space<hbm>> -> memref<64xi32, #tpu.memory_space<hbm>>
      tpu.enqueue_dma source(%dma_start3A_14 : memref<64xi32, #tpu.memory_space<hbm>>) target(%arg8 : memref<64xi32, #tpu.memory_space<vmem>>) target_semaphore(%run_scoped3A : memref<!tpu.dma_semaphore, #tpu.memory_space<semaphore_mem>>)
      %dma_wait3A_15 = tpu.memref_slice %arg4[%mul3A_2] : memref<2048xi32, #tpu.memory_space<hbm>> -> memref<64xi32, #tpu.memory_space<hbm>>
      %dma_wait3A_16 = tpu.memref_slice %arg4[%mul3A_2] : memref<2048xi32, #tpu.memory_space<hbm>> -> memref<64xi32, #tpu.memory_space<hbm>>
      tpu.wait_dma2 semaphore(%run_scoped3A : memref<!tpu.dma_semaphore, #tpu.memory_space<semaphore_mem>>) src(%dma_wait3A_16 : memref<64xi32, #tpu.memory_space<hbm>>) dst(%arg8 : memref<64xi32, #tpu.memory_space<vmem>>)
      tpu.yield
    }) : () -> ()
    %dma_start3A = arith.constant 0 : i32
    %dma_start3A_3 = arith.constant 0 : i32
    %dma_start3A_4 = tpu.memref_slice %arg2[%dma_start3A, %dma_start3A_3] : memref<12288x768xf32, #tpu.memory_space<hbm>> -> memref<12288x768xf32, #tpu.memory_space<hbm>>
    tpu.enqueue_indirect_dma source(%dma_start3A_4 : memref<12288x768xf32, #tpu.memory_space<hbm>>) target(%arg9 : memref<64x768xf32, #tpu.memory_space<vmem>>) offsets(%arg7 : memref<64xi32, #tpu.memory_space<vmem>>) semaphore(%arg11 : memref<!tpu.dma_semaphore, #tpu.memory_space<semaphore_mem>>)
    %dma_wait3A = arith.constant 0 : i32
    %dma_wait3A_5 = arith.constant 0 : i32
    %dma_wait3A_6 = tpu.memref_slice %arg2[%dma_wait3A, %dma_wait3A_5] : memref<12288x768xf32, #tpu.memory_space<hbm>> -> memref<12288x768xf32, #tpu.memory_space<hbm>>
    tpu.wait_indirect_dma semaphore(%arg11 : memref<!tpu.dma_semaphore, #tpu.memory_space<semaphore_mem>>) src(%dma_wait3A_6 : memref<12288x768xf32, #tpu.memory_space<hbm>>) dst(%arg9 : memref<64x768xf32, #tpu.memory_space<vmem>>)
    %dma_start3A_7 = arith.constant 0 : i32
    %dma_start3A_8 = arith.constant 0 : i32
    %dma_start3A_9 = tpu.memref_slice %arg2[%dma_start3A_7, %dma_start3A_8] : memref<12288x768xf32, #tpu.memory_space<hbm>> -> memref<12288x768xf32, #tpu.memory_space<hbm>>
    tpu.enqueue_indirect_dma source(%dma_start3A_9 : memref<12288x768xf32, #tpu.memory_space<hbm>>) target(%arg10 : memref<64x768xf32, #tpu.memory_space<vmem>>) offsets(%arg8 : memref<64xi32, #tpu.memory_space<vmem>>) semaphore(%arg11 : memref<!tpu.dma_semaphore, #tpu.memory_space<semaphore_mem>>)
    %dma_wait3A_10 = arith.constant 0 : i32
    %dma_wait3A_11 = arith.constant 0 : i32
    %dma_wait3A_12 = tpu.memref_slice %arg2[%dma_wait3A_10, %dma_wait3A_11] : memref<12288x768xf32, #tpu.memory_space<hbm>> -> memref<12288x768xf32, #tpu.memory_space<hbm>>
    tpu.wait_indirect_dma semaphore(%arg11 : memref<!tpu.dma_semaphore, #tpu.memory_space<semaphore_mem>>) src(%dma_wait3A_12 : memref<12288x768xf32, #tpu.memory_space<hbm>>) dst(%arg10 : memref<64x768xf32, #tpu.memory_space<vmem>>)
    "tpu.region"() ({
      %run_scoped3A = tpu.sem_alloc : memref<!tpu.dma_semaphore, #tpu.memory_space<semaphore_mem>>
      %dma_start3A_13 = arith.constant 0 : i32
      %dma_start3A_14 = tpu.memref_slice %arg5[%mul3A_2, %dma_start3A_13] : memref<2048x768xf32, #tpu.memory_space<hbm>> -> memref<64x768xf32, #tpu.memory_space<hbm>>
      %dma_start3A_15 = arith.constant 0 : i32
      %dma_start3A_16 = tpu.memref_slice %arg5[%mul3A_2, %dma_start3A_15] : memref<2048x768xf32, #tpu.memory_space<hbm>> -> memref<64x768xf32, #tpu.memory_space<hbm>>
      tpu.enqueue_dma source(%arg9 : memref<64x768xf32, #tpu.memory_space<vmem>>) target(%dma_start3A_16 : memref<64x768xf32, #tpu.memory_space<hbm>>) target_semaphore(%run_scoped3A : memref<!tpu.dma_semaphore, #tpu.memory_space<semaphore_mem>>)
      %dma_wait3A_17 = arith.constant 0 : i32
      %dma_wait3A_18 = tpu.memref_slice %arg5[%mul3A_2, %dma_wait3A_17] : memref<2048x768xf32, #tpu.memory_space<hbm>> -> memref<64x768xf32, #tpu.memory_space<hbm>>
      %dma_wait3A_19 = arith.constant 0 : i32
      %dma_wait3A_20 = tpu.memref_slice %arg5[%mul3A_2, %dma_wait3A_19] : memref<2048x768xf32, #tpu.memory_space<hbm>> -> memref<64x768xf32, #tpu.memory_space<hbm>>
      tpu.wait_dma2 semaphore(%run_scoped3A : memref<!tpu.dma_semaphore, #tpu.memory_space<semaphore_mem>>) src(%arg9 : memref<64x768xf32, #tpu.memory_space<vmem>>) dst(%dma_wait3A_20 : memref<64x768xf32, #tpu.memory_space<hbm>>)
      tpu.yield
    }) : () -> ()
    "tpu.region"() ({
      %run_scoped3A = tpu.sem_alloc : memref<!tpu.dma_semaphore, #tpu.memory_space<semaphore_mem>>
      %dma_start3A_13 = arith.constant 0 : i32
      %dma_start3A_14 = tpu.memref_slice %arg6[%mul3A_2, %dma_start3A_13] : memref<2048x768xf32, #tpu.memory_space<hbm>> -> memref<64x768xf32, #tpu.memory_space<hbm>>
      %dma_start3A_15 = arith.constant 0 : i32
      %dma_start3A_16 = tpu.memref_slice %arg6[%mul3A_2, %dma_start3A_15] : memref<2048x768xf32, #tpu.memory_space<hbm>> -> memref<64x768xf32, #tpu.memory_space<hbm>>
      tpu.enqueue_dma source(%arg10 : memref<64x768xf32, #tpu.memory_space<vmem>>) target(%dma_start3A_16 : memref<64x768xf32, #tpu.memory_space<hbm>>) target_semaphore(%run_scoped3A : memref<!tpu.dma_semaphore, #tpu.memory_space<semaphore_mem>>)
      %dma_wait3A_17 = arith.constant 0 : i32
      %dma_wait3A_18 = tpu.memref_slice %arg6[%mul3A_2, %dma_wait3A_17] : memref<2048x768xf32, #tpu.memory_space<hbm>> -> memref<64x768xf32, #tpu.memory_space<hbm>>
      %dma_wait3A_19 = arith.constant 0 : i32
      %dma_wait3A_20 = tpu.memref_slice %arg6[%mul3A_2, %dma_wait3A_19] : memref<2048x768xf32, #tpu.memory_space<hbm>> -> memref<64x768xf32, #tpu.memory_space<hbm>>
      tpu.wait_dma2 semaphore(%run_scoped3A : memref<!tpu.dma_semaphore, #tpu.memory_space<semaphore_mem>>) src(%arg10 : memref<64x768xf32, #tpu.memory_space<vmem>>) dst(%dma_wait3A_20 : memref<64x768xf32, #tpu.memory_space<hbm>>)
      tpu.yield
    }) : () -> ()
    return
  }
}

module attributes {stable_mosaic.version = 14 : i64} {
  func.func @_router_body(%arg0: memref<2048x768xf32, #tpu.memory_space<vmem>>, %arg1: memref<64x768xf32, #tpu.memory_space<vmem>>, %arg2: memref<2048x1xf32, #tpu.memory_space<vmem>>, %arg3: memref<2048x1xf32, #tpu.memory_space<vmem>>, %arg4: memref<2048x64xbf16, #tpu.memory_space<vmem>>, %arg5: memref<2048x64xbf16, #tpu.memory_space<vmem>>) attributes {dimension_semantics = [], scalar_prefetch = 0 : i64, scratch_operands = 0 : i64, tpu.core_type = #tpu.core_type<tc>} {
    %get3A = arith.constant 0 : index
    %get3A_0 = arith.constant 0 : index
    %get3A_1 = vector.load %arg0[%get3A, %get3A_0] : memref<2048x768xf32, #tpu.memory_space<vmem>>, vector<2048x768xf32>
    %get3A_2 = arith.constant 0 : index
    %get3A_3 = arith.constant 0 : index
    %get3A_4 = vector.load %arg1[%get3A_2, %get3A_3] : memref<64x768xf32, #tpu.memory_space<vmem>>, vector<64x768xf32>
    %convert_element_type3A = arith.truncf %get3A_1 : vector<2048x768xf32> to vector<2048x768xbf16>
    %convert_element_type3A_5 = arith.truncf %get3A_4 : vector<64x768xf32> to vector<64x768xbf16>
    %dot_general3A = arith.constant dense<0.000000e+00> : vector<2048x64xf32>
    %dot_general3A_6 = tpu.matmul %convert_element_type3A, %convert_element_type3A_5, %dot_general3A {dimension_numbers = #tpu.dot_dimension_numbers<[1], [1], [0], [0], [0, 0, 1, 0], [], []>, transpose_lhs_hint = false} : vector<2048x768xbf16>, vector<64x768xbf16>, vector<2048x64xf32> -> vector<2048x64xf32>
    %reduce_max3A = arith.constant dense<0xFF800000> : vector<2048xf32>
    %reduce_max3A_7 = vector.multi_reduction <maximumf>, %dot_general3A_6, %reduce_max3A [1] : vector<2048x64xf32> to vector<2048xf32>
    %max3A = arith.constant 0xFF800000 : f32
    %max3A_8 = vector.broadcast %max3A : f32 to vector<2048xf32>
    %max3A_9 = arith.maximumf %max3A_8, %reduce_max3A_7 : vector<2048xf32>
    %broadcast_in_dim3A = vector.shape_cast %max3A_9 : vector<2048xf32> to vector<2048x1xf32>
    %sub3A = vector.broadcast %broadcast_in_dim3A : vector<2048x1xf32> to vector<2048x64xf32>
    %sub3A_10 = arith.subf %dot_general3A_6, %sub3A : vector<2048x64xf32>
    %exp3A = math.exp %sub3A_10 : vector<2048x64xf32>
    %reduce_sum3A = arith.constant dense<0.000000e+00> : vector<2048xf32>
    %reduce_sum3A_11 = vector.multi_reduction <add>, %exp3A, %reduce_sum3A [1] : vector<2048x64xf32> to vector<2048xf32>
    %broadcast_in_dim3A_12 = vector.shape_cast %reduce_sum3A_11 : vector<2048xf32> to vector<2048x1xf32>
    %div3A = vector.broadcast %broadcast_in_dim3A_12 : vector<2048x1xf32> to vector<2048x64xf32>
    %div3A_13 = arith.divf %exp3A, %div3A : vector<2048x64xf32>
    %reduce_max3A_14 = arith.constant dense<0xFF800000> : vector<2048xf32>
    %reduce_max3A_15 = vector.multi_reduction <maximumf>, %div3A_13, %reduce_max3A_14 [1] : vector<2048x64xf32> to vector<2048xf32>
    %argmax3A = tpu.reduce_index %div3A_13 {axis = 1 : i32, kind = #tpu.reduction_kind<arg_max>} : vector<2048x64xf32> -> vector<2048xi32>
    %iota3A = tpu.iota {dimensions = array<i32: 1>} : vector<2048x64xi32>
    %broadcast_in_dim3A_16 = vector.shape_cast %argmax3A : vector<2048xi32> to vector<2048x1xi32>
    %eq3A = vector.broadcast %broadcast_in_dim3A_16 : vector<2048x1xi32> to vector<2048x64xi32>
    %eq3A_17 = arith.cmpi eq, %iota3A, %eq3A : vector<2048x64xi32>
    %jit3A = arith.constant 0xFF800000 : f32
    %broadcast_in_dim3A_18 = vector.broadcast %jit3A : f32 to vector<2048x64xf32>
    %select_n3A = arith.select %eq3A_17, %broadcast_in_dim3A_18, %div3A_13 : vector<2048x64xi1>, vector<2048x64xf32>
    %reduce_max3A_19 = arith.constant dense<0xFF800000> : vector<2048xf32>
    %reduce_max3A_20 = vector.multi_reduction <maximumf>, %select_n3A, %reduce_max3A_19 [1] : vector<2048x64xf32> to vector<2048xf32>
    %argmax3A_21 = tpu.reduce_index %select_n3A {axis = 1 : i32, kind = #tpu.reduction_kind<arg_max>} : vector<2048x64xf32> -> vector<2048xi32>
    %add3A = arith.addf %reduce_max3A_15, %reduce_max3A_20 : vector<2048xf32>
    %add3A_22 = arith.constant 9.99999993E-9 : f32
    %add3A_23 = vector.broadcast %add3A_22 : f32 to vector<2048xf32>
    %add3A_24 = arith.addf %add3A, %add3A_23 : vector<2048xf32>
    %div3A_25 = arith.divf %reduce_max3A_15, %add3A_24 : vector<2048xf32>
    %broadcast_in_dim3A_26 = vector.shape_cast %div3A_25 : vector<2048xf32> to vector<2048x1xf32>
    %swap3A = arith.constant 0 : index
    %swap3A_27 = arith.constant 0 : index
    %swap3A_28 = vector.load %arg2[%swap3A, %swap3A_27] : memref<2048x1xf32, #tpu.memory_space<vmem>>, vector<2048x1xf32>
    tpu.vector_store %arg2[%swap3A, %swap3A_27], %broadcast_in_dim3A_26 {strides = array<i32>} : memref<2048x1xf32, #tpu.memory_space<vmem>>, vector<2048x1xf32>,
    %div3A_29 = arith.divf %reduce_max3A_20, %add3A_24 : vector<2048xf32>
    %broadcast_in_dim3A_30 = vector.shape_cast %div3A_29 : vector<2048xf32> to vector<2048x1xf32>
    %swap3A_31 = arith.constant 0 : index
    %swap3A_32 = arith.constant 0 : index
    %swap3A_33 = vector.load %arg3[%swap3A_31, %swap3A_32] : memref<2048x1xf32, #tpu.memory_space<vmem>>, vector<2048x1xf32>
    tpu.vector_store %arg3[%swap3A_31, %swap3A_32], %broadcast_in_dim3A_30 {strides = array<i32>} : memref<2048x1xf32, #tpu.memory_space<vmem>>, vector<2048x1xf32>,
    %broadcast_in_dim3A_34 = vector.shape_cast %argmax3A : vector<2048xi32> to vector<2048x1xi32>
    %eq3A_35 = vector.broadcast %broadcast_in_dim3A_34 : vector<2048x1xi32> to vector<2048x64xi32>
    %eq3A_36 = arith.cmpi eq, %iota3A, %eq3A_35 : vector<2048x64xi32>
    %convert_element_type3A_37 = arith.extui %eq3A_36 : vector<2048x64xi1> to vector<2048x64xi32>
    %convert_element_type3A_38 = arith.sitofp %convert_element_type3A_37 : vector<2048x64xi32> to vector<2048x64xf32>
    %convert_element_type3A_39 = arith.truncf %convert_element_type3A_38 : vector<2048x64xf32> to vector<2048x64xbf16>
    %swap3A_40 = arith.constant 0 : index
    %swap3A_41 = arith.constant 0 : index
    %swap3A_42 = vector.load %arg4[%swap3A_40, %swap3A_41] : memref<2048x64xbf16, #tpu.memory_space<vmem>>, vector<2048x64xbf16>
    tpu.vector_store %arg4[%swap3A_40, %swap3A_41], %convert_element_type3A_39 {strides = array<i32>} : memref<2048x64xbf16, #tpu.memory_space<vmem>>, vector<2048x64xbf16>,
    %broadcast_in_dim3A_43 = vector.shape_cast %argmax3A_21 : vector<2048xi32> to vector<2048x1xi32>
    %eq3A_44 = vector.broadcast %broadcast_in_dim3A_43 : vector<2048x1xi32> to vector<2048x64xi32>
    %eq3A_45 = arith.cmpi eq, %iota3A, %eq3A_44 : vector<2048x64xi32>
    %convert_element_type3A_46 = arith.extui %eq3A_45 : vector<2048x64xi1> to vector<2048x64xi32>
    %convert_element_type3A_47 = arith.sitofp %convert_element_type3A_46 : vector<2048x64xi32> to vector<2048x64xf32>
    %convert_element_type3A_48 = arith.truncf %convert_element_type3A_47 : vector<2048x64xf32> to vector<2048x64xbf16>
    %swap3A_49 = arith.constant 0 : index
    %swap3A_50 = arith.constant 0 : index
    %swap3A_51 = vector.load %arg5[%swap3A_49, %swap3A_50] : memref<2048x64xbf16, #tpu.memory_space<vmem>>, vector<2048x64xbf16>
    tpu.vector_store %arg5[%swap3A_49, %swap3A_50], %convert_element_type3A_48 {strides = array<i32>} : memref<2048x64xbf16, #tpu.memory_space<vmem>>, vector<2048x64xbf16>,
    return
  }
}

module attributes {stable_mosaic.version = 14 : i64} {
  func.func @_gemm_body(%arg0: i32, %arg1: memref<96xi32, #tpu.memory_space<smem>>, %arg2: memref<96xi32, #tpu.memory_space<smem>>, %arg3: memref<96xi32, #tpu.memory_space<smem>>, %arg4: memref<128x768xf32, #tpu.memory_space<vmem>>, %arg5: memref<1x1536x768xf32, #tpu.memory_space<vmem>>, %arg6: memref<1x768x1536xf32, #tpu.memory_space<vmem>>, %arg7: memref<128x768xf32, #tpu.memory_space<vmem>>) attributes {dimension_semantics = [#tpu.dimension_semantics<arbitrary>], iteration_bounds = array<i64: 96>, scalar_prefetch = 3 : i64, scratch_operands = 0 : i64, tpu.core_type = #tpu.core_type<tc>, window_params = [{transform_indices = @transform_0, window_bounds = array<i64: 128, 768>}, {transform_indices = @transform_1, window_bounds = array<i64: 1, 1536, 768>}, {transform_indices = @transform_2, window_bounds = array<i64: 1, 768, 1536>}, {transform_indices = @transform_3, window_bounds = array<i64: 128, 768>}]} {
    %get3A = arith.constant 0 : index
    %get3A_0 = arith.constant 0 : index
    %get3A_1 = vector.load %arg4[%get3A, %get3A_0] : memref<128x768xf32, #tpu.memory_space<vmem>>, vector<128x768xf32>
    %convert_element_type3A = arith.truncf %get3A_1 : vector<128x768xf32> to vector<128x768xbf16>
    %get3A_2 = arith.constant 0 : index
    %get3A_3 = arith.constant 0 : index
    %get3A_4 = arith.constant 0 : index
    %get3A_5 = vector.load %arg5[%get3A_2, %get3A_3, %get3A_4] : memref<1x1536x768xf32, #tpu.memory_space<vmem>>, vector<1x1536x768xf32>
    %get3A_6 = vector.shape_cast %get3A_5 : vector<1x1536x768xf32> to vector<1536x768xf32>
    %convert_element_type3A_7 = arith.truncf %get3A_6 : vector<1536x768xf32> to vector<1536x768xbf16>
    %dot_general3A = arith.constant dense<0.000000e+00> : vector<128x1536xf32>
    %dot_general3A_8 = tpu.matmul %convert_element_type3A, %convert_element_type3A_7, %dot_general3A {dimension_numbers = #tpu.dot_dimension_numbers<[1], [1], [0], [0], [0, 0, 1, 0], [], []>, transpose_lhs_hint = false} : vector<128x768xbf16>, vector<1536x768xbf16>, vector<128x1536xf32> -> vector<128x1536xf32>
    %max3A = arith.constant 0.000000e+00 : f32
    %max3A_9 = vector.broadcast %max3A : f32 to vector<128x1536xf32>
    %max3A_10 = arith.maximumf %dot_general3A_8, %max3A_9 : vector<128x1536xf32>
    %square3A = arith.mulf %max3A_10, %max3A_10 : vector<128x1536xf32>
    %convert_element_type3A_11 = arith.truncf %square3A : vector<128x1536xf32> to vector<128x1536xbf16>
    %get3A_12 = arith.constant 0 : index
    %get3A_13 = arith.constant 0 : index
    %get3A_14 = arith.constant 0 : index
    %get3A_15 = vector.load %arg6[%get3A_12, %get3A_13, %get3A_14] : memref<1x768x1536xf32, #tpu.memory_space<vmem>>, vector<1x768x1536xf32>
    %get3A_16 = vector.shape_cast %get3A_15 : vector<1x768x1536xf32> to vector<768x1536xf32>
    %convert_element_type3A_17 = arith.truncf %get3A_16 : vector<768x1536xf32> to vector<768x1536xbf16>
    %dot_general3A_18 = arith.constant dense<0.000000e+00> : vector<128x768xf32>
    %dot_general3A_19 = tpu.matmul %convert_element_type3A_11, %convert_element_type3A_17, %dot_general3A_18 {dimension_numbers = #tpu.dot_dimension_numbers<[1], [1], [0], [0], [0, 0, 1, 0], [], []>, transpose_lhs_hint = false} : vector<128x1536xbf16>, vector<768x1536xbf16>, vector<128x768xf32> -> vector<128x768xf32>
    %swap3A = arith.constant 0 : index
    %swap3A_20 = arith.constant 0 : index
    %swap3A_21 = vector.load %arg7[%swap3A, %swap3A_20] : memref<128x768xf32, #tpu.memory_space<vmem>>, vector<128x768xf32>
    tpu.vector_store %arg7[%swap3A, %swap3A_20], %dot_general3A_19 {strides = array<i32>} : memref<128x768xf32, #tpu.memory_space<vmem>>, vector<128x768xf32>,
    return
  }
  func.func @transform_0(%arg0: i32, %arg1: memref<96xi32, #tpu.memory_space<smem>>, %arg2: memref<96xi32, #tpu.memory_space<smem>>, %arg3: memref<96xi32, #tpu.memory_space<smem>>) -> (i32, i32) {
    %get3A = arith.index_cast %arg0 : i32 to index
    %get3A_0 = memref.load %arg2[%get3A] : memref<96xi32, #tpu.memory_space<smem>>
    %c0_i32 = arith.constant 0 : i32
    %c0_i32_1 = arith.constant 0 : i32
    return %get3A_0, %c0_i32 : i32, i32
  }
  func.func @transform_1(%arg0: i32, %arg1: memref<96xi32, #tpu.memory_space<smem>>, %arg2: memref<96xi32, #tpu.memory_space<smem>>, %arg3: memref<96xi32, #tpu.memory_space<smem>>) -> (i32, i32, i32) {
    %get3A = arith.index_cast %arg0 : i32 to index
    %get3A_0 = memref.load %arg1[%get3A] : memref<96xi32, #tpu.memory_space<smem>>
    %c0_i32 = arith.constant 0 : i32
    %c0_i32_1 = arith.constant 0 : i32
    %c0_i32_2 = arith.constant 0 : i32
    return %get3A_0, %c0_i32, %c0_i32_1 : i32, i32, i32
  }
  func.func @transform_2(%arg0: i32, %arg1: memref<96xi32, #tpu.memory_space<smem>>, %arg2: memref<96xi32, #tpu.memory_space<smem>>, %arg3: memref<96xi32, #tpu.memory_space<smem>>) -> (i32, i32, i32) {
    %get3A = arith.index_cast %arg0 : i32 to index
    %get3A_0 = memref.load %arg1[%get3A] : memref<96xi32, #tpu.memory_space<smem>>
    %c0_i32 = arith.constant 0 : i32
    %c0_i32_1 = arith.constant 0 : i32
    %c0_i32_2 = arith.constant 0 : i32
    return %get3A_0, %c0_i32, %c0_i32_1 : i32, i32, i32
  }
  func.func @transform_3(%arg0: i32, %arg1: memref<96xi32, #tpu.memory_space<smem>>, %arg2: memref<96xi32, #tpu.memory_space<smem>>, %arg3: memref<96xi32, #tpu.memory_space<smem>>) -> (i32, i32) {
    %get3A = arith.index_cast %arg0 : i32 to index
    %get3A_0 = memref.load %arg3[%get3A] : memref<96xi32, #tpu.memory_space<smem>>
    %c0_i32 = arith.constant 0 : i32
    %c0_i32_1 = arith.constant 0 : i32
    return %get3A_0, %c0_i32 : i32, i32
  }
}

module attributes {stable_mosaic.version = 14 : i64} {
  func.func @_plan_body(%arg0: i32, %arg1: memref<2048x64xbf16, #tpu.memory_space<vmem>>, %arg2: memref<2048x64xbf16, #tpu.memory_space<vmem>>, %arg3: memref<128x64xbf16, #tpu.memory_space<vmem>>, %arg4: memref<128x64xbf16, #tpu.memory_space<vmem>>, %arg5: memref<128x1xi32, #tpu.memory_space<vmem>>, %arg6: memref<128x1xi32, #tpu.memory_space<vmem>>, %arg7: memref<96x1xi32, #tpu.memory_space<vmem>>, %arg8: memref<96x1xi32, #tpu.memory_space<vmem>>, %arg9: memref<96x1xi32, #tpu.memory_space<vmem>>) attributes {dimension_semantics = [#tpu.dimension_semantics<arbitrary>], iteration_bounds = array<i64: 16>, scalar_prefetch = 0 : i64, scratch_operands = 0 : i64, tpu.core_type = #tpu.core_type<tc>, window_params = [{pipeline_mode = #tpu.pipeline_mode<synchronous>, transform_indices = @transform_0, window_bounds = array<i64: 2048, 64>}, {pipeline_mode = #tpu.pipeline_mode<synchronous>, transform_indices = @transform_1, window_bounds = array<i64: 2048, 64>}, {transform_indices = @transform_2, window_bounds = array<i64: 128, 64>}, {transform_indices = @transform_3, window_bounds = array<i64: 128, 64>}, {transform_indices = @transform_4, window_bounds = array<i64: 128, 1>}, {transform_indices = @transform_5, window_bounds = array<i64: 128, 1>}, {pipeline_mode = #tpu.pipeline_mode<synchronous>, transform_indices = @transform_6, window_bounds = array<i64: 96, 1>}, {pipeline_mode = #tpu.pipeline_mode<synchronous>, transform_indices = @transform_7, window_bounds = array<i64: 96, 1>}, {pipeline_mode = #tpu.pipeline_mode<synchronous>, transform_indices = @transform_8, window_bounds = array<i64: 96, 1>}]} {
    %get3A = arith.constant 0 : index
    %get3A_0 = arith.constant 0 : index
    %get3A_1 = vector.load %arg1[%get3A, %get3A_0] : memref<2048x64xbf16, #tpu.memory_space<vmem>>, vector<2048x64xbf16>
    %get3A_2 = arith.constant 0 : index
    %get3A_3 = arith.constant 0 : index
    %get3A_4 = vector.load %arg2[%get3A_2, %get3A_3] : memref<2048x64xbf16, #tpu.memory_space<vmem>>, vector<2048x64xbf16>
    %convert_element_type3A = arith.extf %get3A_1 : vector<2048x64xbf16> to vector<2048x64xf32>
    %reduce_sum3A = arith.constant dense<0.000000e+00> : vector<64xf32>
    %reduce_sum3A_5 = vector.multi_reduction <add>, %convert_element_type3A, %reduce_sum3A [0] : vector<2048x64xf32> to vector<64xf32>
    %convert_element_type3A_6 = arith.extf %get3A_4 : vector<2048x64xbf16> to vector<2048x64xf32>
    %reduce_sum3A_7 = arith.constant dense<0.000000e+00> : vector<64xf32>
    %reduce_sum3A_8 = vector.multi_reduction <add>, %convert_element_type3A_6, %reduce_sum3A_7 [0] : vector<2048x64xf32> to vector<64xf32>
    %add3A = arith.addf %reduce_sum3A_5, %reduce_sum3A_8 : vector<64xf32>
    %add3A_9 = arith.constant 1.270000e+02 : f32
    %add3A_10 = vector.broadcast %add3A_9 : f32 to vector<64xf32>
    %add3A_11 = arith.addf %add3A, %add3A_10 : vector<64xf32>
    %div3A = arith.constant 1.280000e+02 : f32
    %div3A_12 = vector.broadcast %div3A : f32 to vector<64xf32>
    %div3A_13 = arith.divf %add3A_11, %div3A_12 : vector<64xf32>
    %floor3A = math.floor %div3A_13 : vector<64xf32>
    %mul3A = arith.constant 1.280000e+02 : f32
    %mul3A_14 = vector.broadcast %mul3A : f32 to vector<64xf32>
    %mul3A_15 = arith.mulf %floor3A, %mul3A_14 : vector<64xf32>
    %iota3A = tpu.iota {dimensions = array<i32: 0>} : vector<64x64xi32>
    %iota3A_16 = tpu.iota {dimensions = array<i32: 1>} : vector<64x64xi32>
    %lt3A = arith.cmpi slt, %iota3A_16, %iota3A : vector<64x64xi32>
    %convert_element_type3A_17 = arith.extui %lt3A : vector<64x64xi1> to vector<64x64xi32>
    %convert_element_type3A_18 = arith.sitofp %convert_element_type3A_17 : vector<64x64xi32> to vector<64x64xf32>
    %convert_element_type3A_19 = arith.truncf %convert_element_type3A_18 : vector<64x64xf32> to vector<64x64xbf16>
    %convert_element_type3A_20 = arith.truncf %mul3A_15 : vector<64xf32> to vector<64xbf16>
    %dot_general3A = arith.constant dense<0.000000e+00> : vector<64xf32>
    %dot_general3A_21 = tpu.matmul %convert_element_type3A_19, %convert_element_type3A_20, %dot_general3A {dimension_numbers = #tpu.dot_dimension_numbers<[1], [0], [0], [], [0, 0], [], []>, transpose_lhs_hint = false} : vector<64x64xbf16>, vector<64xbf16>, vector<64xf32> -> vector<64xf32>
    %iota3A_22 = tpu.iota {dimensions = array<i32: 0>} : vector<128x2048xi32>
    %iota3A_23 = tpu.iota {dimensions = array<i32: 1>} : vector<128x2048xi32>
    %mul3A_24 = arith.constant 128 : i32
    %mul3A_25 = arith.muli %arg0, %mul3A_24 : i32
    %add3A_26 = vector.broadcast %mul3A_25 : i32 to vector<128x2048xi32>
    %add3A_27 = arith.addi %add3A_26, %iota3A_22 : vector<128x2048xi32>
    %lt3A_28 = arith.cmpi slt, %iota3A_23, %add3A_27 : vector<128x2048xi32>
    %convert_element_type3A_29 = arith.extui %lt3A_28 : vector<128x2048xi1> to vector<128x2048xi32>
    %convert_element_type3A_30 = arith.sitofp %convert_element_type3A_29 : vector<128x2048xi32> to vector<128x2048xf32>
    %convert_element_type3A_31 = arith.truncf %convert_element_type3A_30 : vector<128x2048xf32> to vector<128x2048xbf16>
    %dot_general3A_32 = arith.constant dense<0.000000e+00> : vector<128x64xf32>
    %dot_general3A_33 = tpu.matmul %convert_element_type3A_31, %get3A_1, %dot_general3A_32 {dimension_numbers = #tpu.dot_dimension_numbers<[1], [0], [0], [1], [0, 0, 1, 1], [], []>, transpose_lhs_hint = false} : vector<128x2048xbf16>, vector<2048x64xbf16>, vector<128x64xf32> -> vector<128x64xf32>
    %dot_general3A_34 = arith.constant dense<0.000000e+00> : vector<128x64xf32>
    %dot_general3A_35 = tpu.matmul %convert_element_type3A_31, %get3A_4, %dot_general3A_34 {dimension_numbers = #tpu.dot_dimension_numbers<[1], [0], [0], [1], [0, 0, 1, 1], [], []>, transpose_lhs_hint = false} : vector<128x2048xbf16>, vector<2048x64xbf16>, vector<128x64xf32> -> vector<128x64xf32>
    %get3A_36 = arith.constant 0 : index
    %get3A_37 = arith.constant 0 : index
    %get3A_38 = vector.load %arg3[%get3A_36, %get3A_37] : memref<128x64xbf16, #tpu.memory_space<vmem>>, vector<128x64xbf16>
    %convert_element_type3A_39 = arith.extf %get3A_38 : vector<128x64xbf16> to vector<128x64xf32>
    %get3A_40 = arith.constant 0 : index
    %get3A_41 = arith.constant 0 : index
    %get3A_42 = vector.load %arg4[%get3A_40, %get3A_41] : memref<128x64xbf16, #tpu.memory_space<vmem>>, vector<128x64xbf16>
    %convert_element_type3A_43 = arith.extf %get3A_42 : vector<128x64xbf16> to vector<128x64xf32>
    %broadcast_in_dim3A = vector.shape_cast %dot_general3A_21 : vector<64xf32> to vector<1x64xf32>
    %add3A_44 = vector.broadcast %broadcast_in_dim3A : vector<1x64xf32> to vector<128x64xf32>
    %add3A_45 = arith.addf %dot_general3A_33, %add3A_44 : vector<128x64xf32>
    %mul3A_46 = arith.mulf %add3A_45, %convert_element_type3A_39 : vector<128x64xf32>
    %reduce_sum3A_47 = arith.constant dense<0.000000e+00> : vector<128xf32>
    %reduce_sum3A_48 = vector.multi_reduction <add>, %mul3A_46, %reduce_sum3A_47 [1] : vector<128x64xf32> to vector<128xf32>
    %broadcast_in_dim3A_49 = vector.shape_cast %reduce_sum3A_5 : vector<64xf32> to vector<1x64xf32>
    %add3A_50 = vector.broadcast %broadcast_in_dim3A_49 : vector<1x64xf32> to vector<128x64xf32>
    %add3A_51 = arith.addf %dot_general3A_35, %add3A_50 : vector<128x64xf32>
    %broadcast_in_dim3A_52 = vector.shape_cast %dot_general3A_21 : vector<64xf32> to vector<1x64xf32>
    %add3A_53 = vector.broadcast %broadcast_in_dim3A_52 : vector<1x64xf32> to vector<128x64xf32>
    %add3A_54 = arith.addf %add3A_51, %add3A_53 : vector<128x64xf32>
    %mul3A_55 = arith.mulf %add3A_54, %convert_element_type3A_43 : vector<128x64xf32>
    %reduce_sum3A_56 = arith.constant dense<0.000000e+00> : vector<128xf32>
    %reduce_sum3A_57 = vector.multi_reduction <add>, %mul3A_55, %reduce_sum3A_56 [1] : vector<128x64xf32> to vector<128xf32>
    %convert_element_type3A_58 = arith.fptosi %reduce_sum3A_48 : vector<128xf32> to vector<128xi32>
    %broadcast_in_dim3A_59 = vector.shape_cast %convert_element_type3A_58 : vector<128xi32> to vector<128x1xi32>
    %swap3A = arith.constant 0 : index
    %swap3A_60 = arith.constant 0 : index
    %swap3A_61 = vector.load %arg5[%swap3A, %swap3A_60] : memref<128x1xi32, #tpu.memory_space<vmem>>, vector<128x1xi32>
    tpu.vector_store %arg5[%swap3A, %swap3A_60], %broadcast_in_dim3A_59 {strides = array<i32>} : memref<128x1xi32, #tpu.memory_space<vmem>>, vector<128x1xi32>,
    %convert_element_type3A_62 = arith.fptosi %reduce_sum3A_57 : vector<128xf32> to vector<128xi32>
    %broadcast_in_dim3A_63 = vector.shape_cast %convert_element_type3A_62 : vector<128xi32> to vector<128x1xi32>
    %swap3A_64 = arith.constant 0 : index
    %swap3A_65 = arith.constant 0 : index
    %swap3A_66 = vector.load %arg6[%swap3A_64, %swap3A_65] : memref<128x1xi32, #tpu.memory_space<vmem>>, vector<128x1xi32>
    tpu.vector_store %arg6[%swap3A_64, %swap3A_65], %broadcast_in_dim3A_63 {strides = array<i32>} : memref<128x1xi32, #tpu.memory_space<vmem>>, vector<128x1xi32>,
    %eq3A = arith.constant 0 : i32
    %eq3A_67 = arith.cmpi eq, %arg0, %eq3A : i32
    %convert_element_type3A_68 = arith.extui %eq3A_67 : i1 to i32
    %cond3A = arith.constant 0 : i32
    %cond3A_69 = arith.cmpi ne, %convert_element_type3A_68, %cond3A : i32
    scf.if %cond3A_69 {
      %div3A_70 = arith.constant 1.280000e+02 : f32
      %div3A_71 = vector.broadcast %div3A_70 : f32 to vector<64xf32>
      %div3A_72 = arith.divf %dot_general3A_21, %div3A_71 : vector<64xf32>
      %iota3A_73 = tpu.iota {dimensions = array<i32: 0>} : vector<96x64xi32>
      %convert_element_type3A_74 = arith.sitofp %iota3A_73 : vector<96x64xi32> to vector<96x64xf32>
      %broadcast_in_dim3A_75 = vector.shape_cast %div3A_72 : vector<64xf32> to vector<1x64xf32>
      %le3A = vector.broadcast %broadcast_in_dim3A_75 : vector<1x64xf32> to vector<96x64xf32>
      %le3A_76 = arith.cmpf ole, %le3A, %convert_element_type3A_74 : vector<96x64xf32>
      %convert_element_type3A_77 = arith.extui %le3A_76 : vector<96x64xi1> to vector<96x64xi32>
      %convert_element_type3A_78 = arith.sitofp %convert_element_type3A_77 : vector<96x64xi32> to vector<96x64xf32>
      %reduce_sum3A_79 = arith.constant dense<0.000000e+00> : vector<96xf32>
      %reduce_sum3A_80 = vector.multi_reduction <add>, %convert_element_type3A_78, %reduce_sum3A_79 [1] : vector<96x64xf32> to vector<96xf32>
      %sub3A = arith.constant 1.000000e+00 : f32
      %sub3A_81 = vector.broadcast %sub3A : f32 to vector<96xf32>
      %sub3A_82 = arith.subf %reduce_sum3A_80, %sub3A_81 : vector<96xf32>
      %convert_element_type3A_83 = arith.fptosi %sub3A_82 : vector<96xf32> to vector<96xi32>
      %broadcast_in_dim3A_84 = vector.shape_cast %convert_element_type3A_83 : vector<96xi32> to vector<96x1xi32>
      %swap3A_85 = arith.constant 0 : index
      %swap3A_86 = arith.constant 0 : index
      %swap3A_87 = vector.load %arg7[%swap3A_85, %swap3A_86] : memref<96x1xi32, #tpu.memory_space<vmem>>, vector<96x1xi32>
      tpu.vector_store %arg7[%swap3A_85, %swap3A_86], %broadcast_in_dim3A_84 {strides = array<i32>} : memref<96x1xi32, #tpu.memory_space<vmem>>, vector<96x1xi32>,
      %reduce_sum3A_88 = vector.shape_cast %mul3A_15 : vector<64xf32> to vector<1x64xf32>
      %reduce_sum3A_89 = arith.constant dense<0.000000e+00> : vector<1xf32>
      %reduce_sum3A_90 = vector.multi_reduction <add>, %reduce_sum3A_88, %reduce_sum3A_89 [1] : vector<1x64xf32> to vector<1xf32>
      %reduce_sum3A_91 = vector.shape_cast %reduce_sum3A_90 : vector<1xf32> to vector<1x1xf32>
      %reduce_sum3A_92 = vector.extract %reduce_sum3A_91[0, 0] : f32 from vector<1x1xf32>
      %div3A_93 = arith.constant 1.280000e+02 : f32
      %div3A_94 = arith.divf %reduce_sum3A_92, %div3A_93 : f32
      %iota3A_95 = tpu.iota {dimensions = array<i32: 0>} : vector<96x1xi32>
      %convert_element_type3A_96 = arith.sitofp %iota3A_95 : vector<96x1xi32> to vector<96x1xf32>
      %lt3A_97 = vector.broadcast %div3A_94 : f32 to vector<96x1xf32>
      %lt3A_98 = arith.cmpf olt, %convert_element_type3A_96, %lt3A_97 : vector<96x1xf32>
      %sub3A_99 = arith.constant 1.000000e+00 : f32
      %sub3A_100 = arith.subf %div3A_94, %sub3A_99 : f32
      %broadcast_in_dim3A_101 = vector.broadcast %sub3A_100 : f32 to vector<96x1xf32>
      %select_n3A = arith.select %lt3A_98, %convert_element_type3A_96, %broadcast_in_dim3A_101 : vector<96x1xi1>, vector<96x1xf32>
      %convert_element_type3A_102 = arith.fptosi %select_n3A : vector<96x1xf32> to vector<96x1xi32>
      %swap3A_103 = arith.constant 0 : index
      %swap3A_104 = arith.constant 0 : index
      %swap3A_105 = vector.load %arg8[%swap3A_103, %swap3A_104] : memref<96x1xi32, #tpu.memory_space<vmem>>, vector<96x1xi32>
      tpu.vector_store %arg8[%swap3A_103, %swap3A_104], %convert_element_type3A_102 {strides = array<i32>} : memref<96x1xi32, #tpu.memory_space<vmem>>, vector<96x1xi32>,
      %jit3A = arith.constant 9.500000e+01 : f32
      %broadcast_in_dim3A_106 = vector.broadcast %jit3A : f32 to vector<96x1xf32>
      %select_n3A_107 = arith.select %lt3A_98, %convert_element_type3A_96, %broadcast_in_dim3A_106 : vector<96x1xi1>, vector<96x1xf32>
      %convert_element_type3A_108 = arith.fptosi %select_n3A_107 : vector<96x1xf32> to vector<96x1xi32>
      %swap3A_109 = arith.constant 0 : index
      %swap3A_110 = arith.constant 0 : index
      %swap3A_111 = vector.load %arg9[%swap3A_109, %swap3A_110] : memref<96x1xi32, #tpu.memory_space<vmem>>, vector<96x1xi32>
      tpu.vector_store %arg9[%swap3A_109, %swap3A_110], %convert_element_type3A_108 {strides = array<i32>} : memref<96x1xi32, #tpu.memory_space<vmem>>, vector<96x1xi32>,
    } else {
    }
    return
  }
  func.func @transform_0(%arg0: i32) -> (i32, i32) {
    %c0_i32 = arith.constant 0 : i32
    %c0_i32_0 = arith.constant 0 : i32
    %c0_i32_1 = arith.constant 0 : i32
    return %c0_i32, %c0_i32_0 : i32, i32
  }
  func.func @transform_1(%arg0: i32) -> (i32, i32) {
    %c0_i32 = arith.constant 0 : i32
    %c0_i32_0 = arith.constant 0 : i32
    %c0_i32_1 = arith.constant 0 : i32
    return %c0_i32, %c0_i32_0 : i32, i32
  }
  func.func @transform_2(%arg0: i32) -> (i32, i32) {
    %c0_i32 = arith.constant 0 : i32
    %c0_i32_0 = arith.constant 0 : i32
    return %arg0, %c0_i32 : i32, i32
  }
  func.func @transform_3(%arg0: i32) -> (i32, i32) {
    %c0_i32 = arith.constant 0 : i32
    %c0_i32_0 = arith.constant 0 : i32
    return %arg0, %c0_i32 : i32, i32
  }
  func.func @transform_4(%arg0: i32) -> (i32, i32) {
    %c0_i32 = arith.constant 0 : i32
    %c0_i32_0 = arith.constant 0 : i32
    return %arg0, %c0_i32 : i32, i32
  }
  func.func @transform_5(%arg0: i32) -> (i32, i32) {
    %c0_i32 = arith.constant 0 : i32
    %c0_i32_0 = arith.constant 0 : i32
    return %arg0, %c0_i32 : i32, i32
  }
  func.func @transform_6(%arg0: i32) -> (i32, i32) {
    %c0_i32 = arith.constant 0 : i32
    %c0_i32_0 = arith.constant 0 : i32
    %c0_i32_1 = arith.constant 0 : i32
    return %c0_i32, %c0_i32_0 : i32, i32
  }
  func.func @transform_7(%arg0: i32) -> (i32, i32) {
    %c0_i32 = arith.constant 0 : i32
    %c0_i32_0 = arith.constant 0 : i32
    %c0_i32_1 = arith.constant 0 : i32
    return %c0_i32, %c0_i32_0 : i32, i32
  }
  func.func @transform_8(%arg0: i32) -> (i32, i32) {
    %c0_i32 = arith.constant 0 : i32
    %c0_i32_0 = arith.constant 0 : i32
    %c0_i32_1 = arith.constant 0 : i32
    return %c0_i32, %c0_i32_0 : i32, i32
  }
}

module attributes {stable_mosaic.version = 14 : i64} {
  func.func @_combine_body(%arg0: memref<2048x768xf32, #tpu.memory_space<vmem>>, %arg1: memref<2048x768xf32, #tpu.memory_space<vmem>>, %arg2: memref<2048x1xf32, #tpu.memory_space<vmem>>, %arg3: memref<2048x1xf32, #tpu.memory_space<vmem>>, %arg4: memref<2048x768xf32, #tpu.memory_space<vmem>>) attributes {dimension_semantics = [], scalar_prefetch = 0 : i64, scratch_operands = 0 : i64, tpu.core_type = #tpu.core_type<tc>} {
    %get3A = arith.constant 0 : index
    %get3A_0 = arith.constant 0 : index
    %get3A_1 = vector.load %arg0[%get3A, %get3A_0] : memref<2048x768xf32, #tpu.memory_space<vmem>>, vector<2048x768xf32>
    %get3A_2 = arith.constant 0 : index
    %get3A_3 = arith.constant 0 : index
    %get3A_4 = vector.load %arg2[%get3A_2, %get3A_3] : memref<2048x1xf32, #tpu.memory_space<vmem>>, vector<2048x1xf32>
    %mul3A = vector.broadcast %get3A_4 : vector<2048x1xf32> to vector<2048x768xf32>
    %mul3A_5 = arith.mulf %get3A_1, %mul3A : vector<2048x768xf32>
    %get3A_6 = arith.constant 0 : index
    %get3A_7 = arith.constant 0 : index
    %get3A_8 = vector.load %arg1[%get3A_6, %get3A_7] : memref<2048x768xf32, #tpu.memory_space<vmem>>, vector<2048x768xf32>
    %get3A_9 = arith.constant 0 : index
    %get3A_10 = arith.constant 0 : index
    %get3A_11 = vector.load %arg3[%get3A_9, %get3A_10] : memref<2048x1xf32, #tpu.memory_space<vmem>>, vector<2048x1xf32>
    %mul3A_12 = vector.broadcast %get3A_11 : vector<2048x1xf32> to vector<2048x768xf32>
    %mul3A_13 = arith.mulf %get3A_8, %mul3A_12 : vector<2048x768xf32>
    %add3A = arith.addf %mul3A_5, %mul3A_13 : vector<2048x768xf32>
    %swap3A = arith.constant 0 : index
    %swap3A_14 = arith.constant 0 : index
    %swap3A_15 = vector.load %arg4[%swap3A, %swap3A_14] : memref<2048x768xf32, #tpu.memory_space<vmem>>, vector<2048x768xf32>
    tpu.vector_store %arg4[%swap3A, %swap3A_14], %add3A {strides = array<i32>} : memref<2048x768xf32, #tpu.memory_space<vmem>>, vector<2048x768xf32>,
    return
  }
}

</mosaic_0001>

<sc_bundles>
// kernel: kernel.11.cloned.1.call-start
scs
__scs_entry_jumppad:
0x0: {  	(pc) =	sbr.rel $0x88, $3  }
0x1: {  	(tag) =	ssettag $0x0;
	lr =	simm.s32 $0x1  }
0x2: {  	[smem:$0x3F9D] =	sst lr;
	_ =	strace $0xD0000000  }
0x3: {  	_ = 	snop  }
0x4: {  	_ = 	snop  }
0x5: {  	_ = 	snop  }
0x6: {  	_ = 	snop  }
0x7: {  	_ = 	snop  }
__scs_overlays_trampoline_lowered:
0x8: {  	[smem:$0x3FAC] =	sst s0  }
0x9: {  	[smem:$0x3FAD] =	sst s1  }
0xa: {  	[smem:$0x3FAE] =	sst s2  }
0xb: {  	[smem:$0x3FAF] =	sst s3  }
0xc: {  	[smem:$0x3FB0] =	sst s4  }
0xd: {  	[smem:$0x3FB1] =	sst s5  }
0xe: {  	[smem:$0x3FB2] =	sst s6  }
0xf: {  	[smem:$0x3FB3] =	sst s7  }
0x10: {  	[smem:$0x3FB4] =	sst s8  }
0x11: {  	[smem:$0x3FB5] =	sst s9;
	s0 =	simm.s32 @!p0 $0x0  }
0x12: {  	s1 =	sld [smem:$0x3F9B];
	s0 =	simm.s32 @p0 $0x1  }
0x13: {  	[smem:$0x3FB6] =	sst s0;
	s0 =	simm.s32 @!p1 $0x0  }
0x14: {  	s2 =	sld [smem:$0x3F9A];
	s0 =	simm.s32 @p1 $0x1  }
0x15: {  	[smem:$0x3FB7] =	sst s0;
	s0 =	simm.s32 @!p2 $0x0  }
0x16: {  	s3 =	sld [smem:$0x3FDB];
	s0 =	simm.s32 @p2 $0x1  }
0x17: {  	s4 =	simm.s32 $0x1BF5;
	[smem:$0x3FB9] =	sst s0  }
0x18: {  	s0 =	sld [smem:$0x3F9C];
	_ =	swait.ge [sflag:s4], $0x0  }
0x19: {  	s7 =	sld [smem:$0x3F9D]  }
0x1a: {  	s8 =	sadd.s32 $0xFFFFE003, lr  }
0x1b: {  	s9 =	sadd.s32 $0xFFFFFEF7, lr;
	s5 =	simm.s32 $0xFFFFFFFF;
	p2 =	slt.u32 s8, $0xFFFFF086  }
0x1c: {  	p1 =	slt.u32 s9, $0xF7A;
	s5 =	simm.s32 @!p2 $0x0  }
0x1d: {  	s5 =	simm.s32 @p1 $0x1;
	p0 =	seq.s32 s7, s2  }
0x1e: {  	s7 =	smul.u32 @!p0 $0xF7A, s2;
	p2 =	seq.s32 @!p0 s5, $0x0  }
0x1f: {  	s9 =	smul.u32 $0xF7A, s1;
	s8 =	simm.s32 @!p0 $0x1BF5;
	p2 =	por !p2, p0  }
0x20: {  	[sflag:s8] =	ssyncset.s32 @!p0 $0xFFFFF086;
	s6 =	sadd.s32 @!p0 s3, s7;
	s7 =	simm.s32 @!p0 $0x108  }
0x21: {  	s3 =	sadd.s32 s3, s9;
	s6 =	sadd.s32 @!p0 $0x88, s6;
	s7 =	simm.s32 @p2 $0x1082  }
0x22: {  	[simem:s7], [sflag:s8] =	dma.local @!p0 [hbm:s6], $0xF7A  }
0x23: {  	s9 =	sor.u32 $0xD0000000, s2;
	s6 =	simm.s32 $0x108;
	_ =	swait.ge @!p0 [sflag:s8], $0x0  }
0x24: {  	s3 =	sadd.s32 $0x88, s3;
	s6 =	simm.s32 @!p1 $0x1082;
	[sflag:s4] =	ssyncset.s32 $0xFFFFF086  }
0x25: {  	[simem:s6], [sflag:s4] =	dma.local [hbm:s3], $0xF7A  }
0x26: {  	[smem:$0x3F9D] =	sst s1;
	(tag) =	ssettag s2;
	_ =	strace s9  }
0x27: {  	s1 =	sld [smem:$0x3FAD]  }
0x28: {  	s2 =	sld [smem:$0x3FAE]  }
0x29: {  	s4 =	sld [smem:$0x3FB0]  }
0x2a: {  	p0 =	seq.s32 s5, $0x0;
	s5 =	sld [smem:$0x3FB1]  }
0x2b: {  	s6 =	sld [smem:$0x3FB2]  }
0x2c: {  	s7 =	sld [smem:$0x3FB3]  }
0x2d: {  	s3 =	simm.s32 $0x108;
	s8 =	sld [smem:$0x3FB4]  }
0x2e: {  	s3 =	simm.s32 @!p0 $0x1082;
	s9 =	sld [smem:$0x3FB5]  }
0x2f: {  	lr =	sadd.s32 s0, s3;
	s0 =	sld [smem:$0x3FAC]  }
0x30: {  	s3 =	sld [smem:$0x3FAF]  }
0x31: {  	[smem:$0x3FB8] =	sst s10  }
0x32: {  	s10 =	sld [smem:$0x3FB6];
	_ =	sdelay $0x3  }
0x33: {  	p0 =	seq.s32 s10, $0x1;
	s10 =	sld [smem:$0x3FB8];
	_ =	sdelay $0x3  }
0x34: {  	[smem:$0x3FB8] =	sst s10  }
0x35: {  	s10 =	sld [smem:$0x3FB7];
	_ =	sdelay $0x3  }
0x36: {  	p1 =	seq.s32 s10, $0x1;
	s10 =	sld [smem:$0x3FB8];
	_ =	sdelay $0x3  }
0x37: {  	[smem:$0x3FB8] =	sst s10  }
0x38: {  	s10 =	sld [smem:$0x3FB9]  }
0x39: {  	_ = 	snop;
	(pc) =	sbr.ind lr, $3  }
0x3a: {  	_ = 	snop  }
0x3b: {  	_ = 	snop  }
0x3c: {  	p2 =	seq.s32 s10, $0x1;
	s10 =	sld [smem:$0x3FB8]  }
0x3d: {  	_ =	shalt  }
0x3e: {  	_ =	shalt  }
0x3f: {  	_ =	shalt  }
0x40: {  	_ =	shalt  }
0x41: {  	_ =	shalt  }
0x42: {  	_ =	shalt  }
0x43: {  	_ =	shalt  }
0x44: {  	_ =	shalt  }
0x45: {  	_ =	shalt  }
0x46: {  	_ =	shalt  }
0x47: {  	_ =	shalt  }
0x48: {  	_ =	shalt  }
0x49: {  	_ =	shalt  }
0x4a: {  	_ =	shalt  }
0x4b: {  	_ =	shalt  }
0x4c: {  	_ =	shalt  }
0x4d: {  	_ =	shalt  }
0x4e: {  	_ =	shalt  }
0x4f: {  	_ =	shalt  }
0x50: {  	_ =	shalt  }
0x51: {  	_ =	shalt  }
0x52: {  	_ =	shalt  }
0x53: {  	_ =	shalt  }
0x54: {  	_ =	shalt  }
0x55: {  	_ =	shalt  }
0x56: {  	_ =	shalt  }
0x57: {  	_ =	shalt  }
0x58: {  	_ =	shalt  }
0x59: {  	_ =	shalt  }
0x5a: {  	_ =	shalt  }
0x5b: {  	_ =	shalt  }
0x5c: {  	_ =	shalt  }
0x5d: {  	_ =	shalt  }
0x5e: {  	_ =	shalt  }
0x5f: {  	_ =	shalt  }
0x60: {  	_ =	shalt  }
0x61: {  	_ =	shalt  }
0x62: {  	_ =	shalt  }
0x63: {  	_ =	shalt  }
0x64: {  	_ =	shalt  }
0x65: {  	_ =	shalt  }
0x66: {  	_ =	shalt  }
0x67: {  	_ =	shalt  }
0x68: {  	_ =	shalt  }
0x69: {  	_ =	shalt  }
0x6a: {  	_ =	shalt  }
0x6b: {  	_ =	shalt  }
0x6c: {  	_ =	shalt  }
0x6d: {  	_ =	shalt  }
0x6e: {  	_ =	shalt  }
0x6f: {  	_ =	shalt  }
0x70: {  	_ =	shalt  }
0x71: {  	_ =	shalt  }
0x72: {  	_ =	shalt  }
0x73: {  	_ =	shalt  }
0x74: {  	_ =	shalt  }
0x75: {  	_ =	shalt  }
0x76: {  	_ =	shalt  }
0x77: {  	_ =	shalt  }
0x78: {  	_ =	shalt  }
0x79: {  	_ =	shalt  }
0x7a: {  	_ =	shalt  }
0x7b: {  	_ =	shalt  }
0x7c: {  	_ =	shalt  }
0x7d: {  	_ =	shalt  }
0x7e: {  	_ =	shalt  }
0x7f: {  	_ =	shalt  }
0x80: {  	_ =	shalt  }
0x81: {  	_ =	shalt  }
0x82: {  	_ =	shalt  }
0x83: {  	_ =	shalt  }
0x84: {  	_ =	shalt  }
0x85: {  	_ =	shalt  }
0x86: {  	_ =	shalt  }
0x87: {  	_ =	shalt  }
.Lfunc_end0:
.L_simem_size_0:
called_computation.1_lowered:
.L_overlay_start_0:
0x88: {  	s2 =	sld [smem:$0x3FD9]  }
0x89: {  	s3 =	sld [smem:$0x3FFE];
	_ =	sdelay $0x1  }
0x8a: {  	s1 =	srdreg.scid  }
0x8b: {  	s0 =	sand.u32 $0x1, s1  }
0x8c: {  	s17 =	sshll.u32 s0, $0xA;
	s2 =	sadd.s32 s3, s2  }
0x8d: {  	s2 =	sadd.s32 s2, s17  }
0x8e: {  	[smem:$0x3FC4] =	sst s2  }
0x8f: {  	_ = 	snop  }
0x90: {  	s2 =	sld [smem:$0x3FD0];
	(tm) =	ssettm $0x1  }
0x91: {  	s18 =	sld [smem:$0x3FFB];
	_ =	sdelay $0x3  }
0x92: {  	_ =	strace s18  }
0x93: {  	s3 =	sld [smem:$0x3FFC];
	_ =	sdelay $0x3  }
0x94: {  	_ =	strace s3  }
0x95: {  	s3 =	sld [smem:$0x3FFD];
	_ =	sdelay $0x3  }
0x96: {  	_ =	strace s3  }
0x97: {  	_ =	strace $0x8FFFFFFF  }
0x98: {  	s19 =	sld [smem:$0x3FDB];
	_ =	sdelay $0x1  }
0x99: {  	s4 =	simm.s32 $_scs_section_size  }
0x9a: {  	s5 =	simm.s32 $_size__tile_overlayer_lowered;
	s6 =	simm.s32 $_tile_overlayer_lowered  }
0x9b: {  	s22 =	simm.s32 $0x1BFF;
	s21 =	sshll.u32 s6, $0x1;
	s3 =	sadd.s32 s4, s19  }
0x9c: {  	s7 =	simm.s32 $0x0;
	s20 =	sshll.u32 s5, $0x1;
	s5 =	sadd.s32 s21, s3  }
0x9d: {  	[timem:s7], [sflag:s22] =	dma.local [hbm:s5], s20  }
0x9e: {  	_ =	swait.ge [sflag:s22], s20  }
0x9f: {  	s4 =	ssub.s32 $0x0, s20;
	[sflag:s22] =	ssyncset.done $0x0  }
0xa0: {  	[sflag:s22] =	ssyncadd.s32 s4;
	_ =	sdelay $0x1  }
0xa1: {  	s23 =	simm.s32 $0x1B8B  }
0xa2: {  	_ =	swait.ge [sflag:s23], $0x1  }
0xa3: {  	[sflag:s23] =	ssyncset.done $0x0  }
0xa4: {  	s25 =	simm.s32 $0x1B8E;
	s24 =	sld [smem:$0x3FFE];
	[sflag:s23] =	ssyncadd.s32 $0xFFFFFFFF  }
0xa5: {  	s26 =	simm.s32 $execute0_lowered;
	[smem:$0x3FD2] =	sst s25  }
0xa6: {  	s5 =	sshll.u32 s26, $0x1;
	_ =	strace $0x80000049;
	[dreg:$0x1] =	wrdreg $0xFFFFFFFF  }
0xa7: {  	s28 =	simm.s32 $_size_execute0_lowered;
	s3 =	sadd.s32 s3, s5;
	[dreg:$0x0] =	wrdreg $0x0  }
0xa8: {  	s5 =	sshll.u32 s28, $0x1;
	[dreg:$0x2] =	wrdreg s3  }
0xa9: {  	[dreg:$0x3] =	wrdreg s5  }
0xaa: {  	[dreg:$0x4] =	wrdreg $0xC0  }
0xab: {  	_ =	task [dreg:s7], $0x5FFFF  }
0xac: {  	[dreg:$0x1] =	wrdreg $0xFFFFFFFF  }
0xad: {  	[dreg:$0x0] =	wrdreg $0x60  }
0xae: {  	[dreg:$0x2] =	wrdreg s24  }
0xaf: {  	[dreg:$0x3] =	wrdreg s2  }
0xb0: {  	[dreg:$0x4] =	wrdreg $0x9  }
0xb1: {  	_ =	task.clear_ibuf [dreg:s7], $0x5FFFF;
	_ =	strace $0x90000049  }
0xb2: {  	s29 =	simm.s32 $0x9;
	_ =	strace $0x8000004B  }
0xb3: {  	_ =	swait.ge [sflag:s29], $0x1  }
0xb4: {  	[sflag:s29] =	ssyncadd.s32 $0xFFFFFFFF  }
0xb5: {  	_ =	strace $0x9000004B  }
0xb6: {  	_ =	sfence  }
0xb7: {  	s30 =	sld [smem:$0x0];
	_ =	sdelay $0x2  }
0xb8: {  	s31 =	sshll.u32 s1, $0xD;
	s1 =	sshrl.u32 s1, $0x2  }
0xb9: {  	s3 =	sand.u32 $0x4000, s31;
	s1 =	sadd.s32 s1, s30  }
0xba: {  	s0 =	sor.u32 s3, s0;
	s1 =	sshll.u32 s1, $0x11  }
0xbb: {  	s0 =	sor.u32 s1, s0  }
0xbc: {  	s0 =	sadd.s32 $0x8F2B, s0  }
0xbd: {  	[sflag:s0] =	ssyncadd.remote.s32 $0x1  }
0xbe: {  	_ =	sfence.sel $0xFFFF  }
0xbf: {  	[dreg:$0x0] =	wrdreg $0xFFFFFFFF;
	(pc) =	sbr.abs _section_cstart, $3  }
0xc0: {  	[dreg:$0x1] =	wrdreg $0xFFFFFFFF  }
0xc1: {  	_ =	task.clear_ibuf [dreg:s7], $0x2FFFF;
	_ =	strace $0x9FFFFFFF  }
0xc2: {  	(tm) =	ssettm $0x7FFFFFFF  }
0xc3: {  	_ =	shalt  }
tec
execute0_lowered:
.L_overlay_start_1:
0x0: {  	(tag) =	ssettag $0x1  }
0x1: {  	s2 =	srdreg.scid;
	s1 =	rddreg [dreg:$0x0]  }
0x2: {  	s3 =	rddreg [dreg:$0x1];
	s4 =	sand.u32 $0x1, s2;
	s2 =	simm.s32 $0x0  }
0x3: {  	s23 =	simm.s32 $0x80;
	[smem:$0x7FF] =	sst s2  }
0x4: {  	s24 =	simm.s32 $0x900;
	_ =	strace $0x8000004A;
	[dreg:$0x7] =	wrdreg s23  }
0x5: {  	s25 =	simm.s32 $0x1100;
	[dreg:$0x8] =	wrdreg s24  }
0x6: {  	s0 =	stileid.u32;
	s26 =	simm.s32 $0x1900;
	[dreg:$0x9] =	wrdreg s25  }
0x7: {  	s6 =	sshll.u32 s0, $0x3;
	s0 =	simm.s32 $0x2100;
	[dreg:$0xa] =	wrdreg s26  }
0x8: {  	s8 =	simm.s32 $0x4100;
	[dreg:$0xb] =	wrdreg s0  }
0x9: {  	s9 =	simm.s32 $0x4900;
	[dreg:$0xf] =	wrdreg s8  }
0xa: {  	s10 =	simm.s32 $0x5100;
	[dreg:$0x10] =	wrdreg s9  }
0xb: {  	s11 =	simm.s32 $0x5900;
	[dreg:$0x11] =	wrdreg s10  }
0xc: {  	s12 =	simm.s32 $0x6100;
	[dreg:$0x12] =	wrdreg s11  }
0xd: {  	s13 =	simm.s32 $0x6900;
	[dreg:$0x13] =	wrdreg s12  }
0xe: {  	s14 =	simm.s32 $0x7100;
	s15 =	simm.s32 $0x7900;
	[dreg:$0x14] =	wrdreg s13  }
0xf: {  	s16 =	simm.s32 $0x8100;
	s17 =	simm.s32 $0x8900;
	[dreg:$0x15] =	wrdreg s14  }
0x10: {  	s18 =	simm.s32 $0x9100;
	s20 =	simm.s32 $0x9900;
	[dreg:$0x16] =	wrdreg s15  }
0x11: {  	s28 =	simm.s32 $0x15900;
	s29 =	simm.s32 $0x16100;
	[dreg:$0x17] =	wrdreg s16  }
0x12: {  	s30 =	simm.s32 $0x16900;
	s31 =	simm.s32 $0x17100;
	[dreg:$0x18] =	wrdreg s17  }
0x13: {  	s5 =	sshll.u32 s4, $0x7;
	s4 =	ssub.s32 $0x2, s4;
	[dreg:$0x19] =	wrdreg s18  }
0x14: {  	s5 =	sor.u32 s6, s5;
	s19 =	sshrl.u32 s4, $0x1;
	[dreg:$0x1a] =	wrdreg s20  }
0x15: {  	s23 =	simm.s32 $0xB100;
	s24 =	simm.s32 $0xB900;
	s25 =	simm.s32 $0xC900  }
0x16: {  	s8 =	simm.s32 $0x100;
	s26 =	simm.s32 $0xD100;
	s9 =	simm.s32 $0x1  }
0x17: {  	s10 =	simm.s32 $0xC100;
	s12 =	simm.s32 $0xE100;
	s13 =	simm.s32 $0xE900  }
0x18: {  	s14 =	simm.s32 $0xF100;
	s15 =	simm.s32 $0xF900;
	[dreg:$0x1d] =	wrdreg s23  }
0x19: {  	s16 =	simm.s32 $0x10100;
	s17 =	simm.s32 $0x10900;
	[dreg:$0x1e] =	wrdreg s24  }
0x1a: {  	s18 =	simm.s32 $0x11100;
	s6 =	sadd.s32 s5, s1;
	[dreg:$0x1f] =	wrdreg s25  }
0x1b: {  	s5 =	smul.u32 $0x300, s5;
	[smem:$0x7FD] =	sst s26;
	s7 =	sadd.s32 $0x10400, s6  }
0x1c: {  	s20 =	simm.s32 $0x12100;
	s6 =	sadd.s32 $0x10600, s6;
	[dreg:$0x3] =	wrdreg s7  }
0x1d: {  	s23 =	simm.s32 $0x13900;
	[dreg:$0x4] =	wrdreg s6;
	s3 =	sadd.s32 s3, s5  }
0x1e: {  	s21 =	sadd.s32 s5, s1;
	s5 =	simm.s32 $0x2900;
	[dreg:$0x5] =	wrdreg s3  }
0x1f: {  	s24 =	simm.s32 $0x14100;
	s6 =	simm.s32 $0x3100;
	[dreg:$0xc] =	wrdreg s5  }
0x20: {  	s25 =	simm.s32 $0x14900;
	s7 =	simm.s32 $0x3900;
	[dreg:$0xd] =	wrdreg s6  }
0x21: {  	s26 =	simm.s32 $0x15100;
	s22 =	sadd.s32 $0x10800, s21;
	[dreg:$0xe] =	wrdreg s7  }
0x22: {  	s3 =	sadd.s32 $0x130800, s1;
	s6 =	ssub.s32 s4, s19;
	s21 =	simm.s32 $0xA100  }
0x23: {  	s4 =	sadd.s32 $0x130900, s1;
	s5 =	sadd.s32 $0x130A00, s1;
	s7 =	simm.s32 $0x2  }
0x24: {  	v2 =	vlaneseq.u32;
	s19 =	simm.s32 $0x11900;
	s1 =	simm.s32 $0x17900;
	[dreg:$0x6] =	wrdreg s22  }
0x25: {  	vm0 =	vmmov $0xffff;
	v1 =	vshrl.u32 v2, $0x3;
	[dreg:$0x1b] =	wrdreg s21;
	s22 =	simm.s32 $0xA900;
	s6 =	smax.u32 s6, $0x1  }
0x26: {  	v0 =	vand.u32 $0x7, v2;
	v2 =	vor.u32 $0x8, v2;
	v1 =	vmul.u32 $0x8, v1;
	s21 =	simm.s32 $0x12900;
	[dreg:$0x1c] =	wrdreg s22;
	s22 =	simm.s32 $0x13100  }
.LBB2_1:
0x27: {  	s0 =	rddreg [dreg:$0x3]  }
0x28: {  	[tilespmem:s2], [sflag:$0x2] =	stream.linear.gather [hbm4b:s0+s2], $0x40, $0x38;
	[tilespmem:$0x18100] =	vst v63  }
0x29: {  	_ =	swait.ge [sflag:s7], $0x40  }
0x2a: {  	s0 =	rddreg [dreg:$0x4];
	[sflag:s7] =	ssyncset.done $0x0  }
0x2b: {  	s11 =	rddreg [dreg:$0x7];
	[sflag:s7] =	ssyncadd.s32 $0xFFFFFFC0  }
0x2c: {  	[tilespmem:s11], [sflag:$0x2] =	stream.linear.gather [hbm4b:s0+s2], $0x40, $0x38;
	[tilespmem:$0x18100] =	vst v63  }
0x2d: {  	_ =	swait.ge [sflag:s7], $0x40  }
0x2e: {  	[sflag:s7] =	ssyncset.done $0x0  }
0x2f: {  	[sflag:s7] =	ssyncadd.s32 $0xFFFFFFC0  }
0x30: {  	v3 =	vld [tilespmem:$0x0];
	_ =	sdelay $0x4  }
0x31: {  	v4 =	vshrl.u32 v3, $0x3  }
0x32: {  	v4 =	vmul.u32 $0x30, v4  }
0x33: {  	v3 =	vand.u32 $0x7, v3  }
0x34: {  	v3 =	vor.u32 v3, v4  }
0x35: {  	v4 =	vperm.xlane v3, v0;
	_ =	sdelay $0x1  }
0x36: {  	v4 =	vadd.s32 v1, v4;
	_ =	sdelay $0x3  }
0x37: {  	v3 =	vperm.xlane v3, v2  }
0x38: {  	[tilespmem:s8], [sflag:$0x1] =	stream.indirect_vreg.gather [hbm4b:s3+s2], $0x80, v4, vm0, $0xb8;
	[tilespmem:$0x18100] =	vst v63  }
0x39: {  	s0 =	rddreg [dreg:$0x8];
	v3 =	vadd.s32 v1, v3  }
0x3a: {  	[tilespmem:s0], [sflag:$0x1] =	stream.indirect_vreg.gather [hbm4b:s4+s2], $0x80, v4, vm0, $0xb8;
	[tilespmem:$0x18100] =	vst v63  }
0x3b: {  	s11 =	rddreg [dreg:$0x9]  }
0x3c: {  	[tilespmem:s11], [sflag:$0x1] =	stream.indirect_vreg.gather [hbm4b:s5+s2], $0x80, v4, vm0, $0xb8;
	[tilespmem:$0x18100] =	vst v63  }
0x3d: {  	s0 =	rddreg [dreg:$0xa]  }
0x3e: {  	[tilespmem:s0], [sflag:$0x1] =	stream.indirect_vreg.gather [hbm4b:s3+s2], $0x80, v3, vm0, $0xb8;
	[tilespmem:$0x18100] =	vst v63  }
0x3f: {  	s11 =	rddreg [dreg:$0xb]  }
0x40: {  	[tilespmem:s11], [sflag:$0x1] =	stream.indirect_vreg.gather [hbm4b:s4+s2], $0x80, v3, vm0, $0xb8;
	[tilespmem:$0x18100] =	vst v63  }
0x41: {  	s0 =	rddreg [dreg:$0xc]  }
0x42: {  	[tilespmem:s0], [sflag:$0x1] =	stream.indirect_vreg.gather [hbm4b:s5+s2], $0x80, v3, vm0, $0xb8;
	[tilespmem:$0x18100] =	vst v63  }
0x43: {  	v3 =	vld [tilespmem:$0x10];
	_ =	sdelay $0x4  }
0x44: {  	v57 =	vshrl.u32 v3, $0x3  }
0x45: {  	v4 =	vmul.u32 $0x30, v57  }
0x46: {  	v3 =	vand.u32 $0x7, v3  }
0x47: {  	v3 =	vor.u32 v3, v4  }
0x48: {  	v4 =	vperm.xlane v3, v0;
	_ =	sdelay $0x1  }
0x49: {  	v4 =	vadd.s32 v1, v4;
	_ =	sdelay $0x3  }
0x4a: {  	s0 =	rddreg [dreg:$0xd];
	v3 =	vperm.xlane v3, v2  }
0x4b: {  	[tilespmem:s0], [sflag:$0x1] =	stream.indirect_vreg.gather [hbm4b:s3+s2], $0x80, v4, vm0, $0xb8;
	[tilespmem:$0x18100] =	vst v63  }
0x4c: {  	s11 =	rddreg [dreg:$0xe];
	v3 =	vadd.s32 v1, v3  }
0x4d: {  	[tilespmem:s11], [sflag:$0x1] =	stream.indirect_vreg.gather [hbm4b:s4+s2], $0x80, v4, vm0, $0xb8;
	[tilespmem:$0x18100] =	vst v63  }
0x4e: {  	s0 =	rddreg [dreg:$0xf]  }
0x4f: {  	[tilespmem:s0], [sflag:$0x1] =	stream.indirect_vreg.gather [hbm4b:s5+s2], $0x80, v4, vm0, $0xb8;
	[tilespmem:$0x18100] =	vst v63  }
0x50: {  	s11 =	rddreg [dreg:$0x10]  }
0x51: {  	[tilespmem:s11], [sflag:$0x1] =	stream.indirect_vreg.gather [hbm4b:s3+s2], $0x80, v3, vm0, $0xb8;
	[tilespmem:$0x18100] =	vst v63  }
0x52: {  	s0 =	rddreg [dreg:$0x11]  }
0x53: {  	[tilespmem:s0], [sflag:$0x1] =	stream.indirect_vreg.gather [hbm4b:s4+s2], $0x80, v3, vm0, $0xb8;
	[tilespmem:$0x18100] =	vst v63  }
0x54: {  	s11 =	rddreg [dreg:$0x12]  }
0x55: {  	[tilespmem:s11], [sflag:$0x1] =	stream.indirect_vreg.gather [hbm4b:s5+s2], $0x80, v3, vm0, $0xb8;
	[tilespmem:$0x18100] =	vst v63  }
0x56: {  	v3 =	vld [tilespmem:$0x20];
	_ =	sdelay $0x4  }
0x57: {  	v58 =	vshrl.u32 v3, $0x3  }
0x58: {  	v4 =	vmul.u32 $0x30, v58  }
0x59: {  	v3 =	vand.u32 $0x7, v3  }
0x5a: {  	v3 =	vor.u32 v3, v4  }
0x5b: {  	v4 =	vperm.xlane v3, v0;
	_ =	sdelay $0x1  }
0x5c: {  	v4 =	vadd.s32 v1, v4;
	_ =	sdelay $0x3  }
0x5d: {  	s0 =	rddreg [dreg:$0x13];
	v3 =	vperm.xlane v3, v2  }
0x5e: {  	[tilespmem:s0], [sflag:$0x1] =	stream.indirect_vreg.gather [hbm4b:s3+s2], $0x80, v4, vm0, $0xb8;
	[tilespmem:$0x18100] =	vst v63  }
0x5f: {  	s11 =	rddreg [dreg:$0x14];
	v3 =	vadd.s32 v1, v3  }
0x60: {  	[tilespmem:s11], [sflag:$0x1] =	stream.indirect_vreg.gather [hbm4b:s4+s2], $0x80, v4, vm0, $0xb8;
	[tilespmem:$0x18100] =	vst v63  }
0x61: {  	s0 =	rddreg [dreg:$0x15]  }
0x62: {  	[tilespmem:s0], [sflag:$0x1] =	stream.indirect_vreg.gather [hbm4b:s5+s2], $0x80, v4, vm0, $0xb8;
	[tilespmem:$0x18100] =	vst v63  }
0x63: {  	s11 =	rddreg [dreg:$0x16]  }
0x64: {  	[tilespmem:s11], [sflag:$0x1] =	stream.indirect_vreg.gather [hbm4b:s3+s2], $0x80, v3, vm0, $0xb8;
	[tilespmem:$0x18100] =	vst v63  }
0x65: {  	s0 =	rddreg [dreg:$0x17]  }
0x66: {  	[tilespmem:s0], [sflag:$0x1] =	stream.indirect_vreg.gather [hbm4b:s4+s2], $0x80, v3, vm0, $0xb8;
	[tilespmem:$0x18100] =	vst v63  }
0x67: {  	s11 =	rddreg [dreg:$0x18]  }
0x68: {  	[tilespmem:s11], [sflag:$0x1] =	stream.indirect_vreg.gather [hbm4b:s5+s2], $0x80, v3, vm0, $0xb8;
	[tilespmem:$0x18100] =	vst v63  }
0x69: {  	v3 =	vld [tilespmem:$0x30];
	_ =	sdelay $0x4  }
0x6a: {  	v59 =	vshrl.u32 v3, $0x3  }
0x6b: {  	v4 =	vmul.u32 $0x30, v59  }
0x6c: {  	v3 =	vand.u32 $0x7, v3  }
0x6d: {  	v3 =	vor.u32 v3, v4  }
0x6e: {  	v4 =	vperm.xlane v3, v0;
	_ =	sdelay $0x1  }
0x6f: {  	v4 =	vadd.s32 v1, v4;
	_ =	sdelay $0x3  }
0x70: {  	s0 =	rddreg [dreg:$0x19];
	v3 =	vperm.xlane v3, v2  }
0x71: {  	[tilespmem:s0], [sflag:$0x1] =	stream.indirect_vreg.gather [hbm4b:s3+s2], $0x80, v4, vm0, $0xb8;
	[tilespmem:$0x18100] =	vst v63  }
0x72: {  	s11 =	rddreg [dreg:$0x1a];
	v3 =	vadd.s32 v1, v3  }
0x73: {  	[tilespmem:s11], [sflag:$0x1] =	stream.indirect_vreg.gather [hbm4b:s4+s2], $0x80, v4, vm0, $0xb8;
	[tilespmem:$0x18100] =	vst v63  }
0x74: {  	s0 =	rddreg [dreg:$0x1b]  }
0x75: {  	[tilespmem:s0], [sflag:$0x1] =	stream.indirect_vreg.gather [hbm4b:s5+s2], $0x80, v4, vm0, $0xb8;
	[tilespmem:$0x18100] =	vst v63  }
0x76: {  	s11 =	rddreg [dreg:$0x1c]  }
0x77: {  	[tilespmem:s11], [sflag:$0x1] =	stream.indirect_vreg.gather [hbm4b:s3+s2], $0x80, v3, vm0, $0xb8;
	[tilespmem:$0x18100] =	vst v63  }
0x78: {  	s0 =	rddreg [dreg:$0x1d]  }
0x79: {  	[tilespmem:s0], [sflag:$0x1] =	stream.indirect_vreg.gather [hbm4b:s4+s2], $0x80, v3, vm0, $0xb8;
	[tilespmem:$0x18100] =	vst v63  }
0x7a: {  	s11 =	rddreg [dreg:$0x1e]  }
0x7b: {  	[tilespmem:s11], [sflag:$0x1] =	stream.indirect_vreg.gather [hbm4b:s5+s2], $0x80, v3, vm0, $0xb8;
	[tilespmem:$0x18100] =	vst v63  }
0x7c: {  	_ =	swait.ge [sflag:s9], $0xC000  }
0x7d: {  	[sflag:s9] =	ssyncset.done $0x0  }
0x7e: {  	[sflag:s9] =	ssyncadd.s32 $0xFFFF4000  }
0x7f: {  	v3 =	vld [tilespmem:$0x80];
	_ =	sdelay $0x4  }
0x80: {  	v60 =	vshrl.u32 v3, $0x3  }
0x81: {  	v4 =	vmul.u32 $0x30, v60  }
0x82: {  	v3 =	vand.u32 $0x7, v3  }
0x83: {  	v3 =	vor.u32 v3, v4  }
0x84: {  	v4 =	vperm.xlane v3, v0;
	_ =	sdelay $0x1  }
0x85: {  	v4 =	vadd.s32 v1, v4;
	_ =	sdelay $0x3  }
0x86: {  	s0 =	rddreg [dreg:$0x1f];
	v3 =	vperm.xlane v3, v2  }
0x87: {  	[tilespmem:s10], [sflag:$0x1] =	stream.indirect_vreg.gather [hbm4b:s3+s2], $0x80, v4, vm0, $0xb8;
	[tilespmem:$0x18100] =	vst v63  }
0x88: {  	s11 =	sld [smem:$0x7FD];
	v3 =	vadd.s32 v1, v3  }
0x89: {  	[tilespmem:s0], [sflag:$0x1] =	stream.indirect_vreg.gather [hbm4b:s4+s2], $0x80, v4, vm0, $0xb8;
	[tilespmem:$0x18100] =	vst v63  }
0x8a: {  	_ = 	snop  }
0x8b: {  	[tilespmem:s11], [sflag:$0x1] =	stream.indirect_vreg.gather [hbm4b:s5+s2], $0x80, v4, vm0, $0xb8;
	[tilespmem:$0x18100] =	vst v63  }
0x8c: {  	s11 =	simm.s32 $0xD900  }
0x8d: {  	[tilespmem:s11], [sflag:$0x1] =	stream.indirect_vreg.gather [hbm4b:s3+s2], $0x80, v3, vm0, $0xb8;
	[tilespmem:$0x18100] =	vst v63  }
0x8e: {  	_ = 	snop  }
0x8f: {  	[tilespmem:s12], [sflag:$0x1] =	stream.indirect_vreg.gather [hbm4b:s4+s2], $0x80, v3, vm0, $0xb8;
	[tilespmem:$0x18100] =	vst v63  }
0x90: {  	_ = 	snop  }
0x91: {  	[tilespmem:s13], [sflag:$0x1] =	stream.indirect_vreg.gather [hbm4b:s5+s2], $0x80, v3, vm0, $0xb8;
	[tilespmem:$0x18100] =	vst v63  }
0x92: {  	v3 =	vld [tilespmem:$0x90];
	_ =	sdelay $0x4  }
0x93: {  	v61 =	vshrl.u32 v3, $0x3  }
0x94: {  	v4 =	vmul.u32 $0x30, v61  }
0x95: {  	v3 =	vand.u32 $0x7, v3  }
0x96: {  	v3 =	vor.u32 v3, v4  }
0x97: {  	v4 =	vperm.xlane v3, v0;
	_ =	sdelay $0x1  }
0x98: {  	v4 =	vadd.s32 v1, v4;
	_ =	sdelay $0x3  }
0x99: {  	v3 =	vperm.xlane v3, v2  }
0x9a: {  	[tilespmem:s14], [sflag:$0x1] =	stream.indirect_vreg.gather [hbm4b:s3+s2], $0x80, v4, vm0, $0xb8;
	[tilespmem:$0x18100] =	vst v63  }
0x9b: {  	v3 =	vadd.s32 v1, v3  }
0x9c: {  	[tilespmem:s15], [sflag:$0x1] =	stream.indirect_vreg.gather [hbm4b:s4+s2], $0x80, v4, vm0, $0xb8;
	[tilespmem:$0x18100] =	vst v63  }
0x9d: {  	_ = 	snop  }
0x9e: {  	[tilespmem:s16], [sflag:$0x1] =	stream.indirect_vreg.gather [hbm4b:s5+s2], $0x80, v4, vm0, $0xb8;
	[tilespmem:$0x18100] =	vst v63  }
0x9f: {  	_ = 	snop  }
0xa0: {  	[tilespmem:s17], [sflag:$0x1] =	stream.indirect_vreg.gather [hbm4b:s3+s2], $0x80, v3, vm0, $0xb8;
	[tilespmem:$0x18100] =	vst v63  }
0xa1: {  	_ = 	snop  }
0xa2: {  	[tilespmem:s18], [sflag:$0x1] =	stream.indirect_vreg.gather [hbm4b:s4+s2], $0x80, v3, vm0, $0xb8;
	[tilespmem:$0x18100] =	vst v63  }
0xa3: {  	_ = 	snop  }
0xa4: {  	[tilespmem:s19], [sflag:$0x1] =	stream.indirect_vreg.gather [hbm4b:s5+s2], $0x80, v3, vm0, $0xb8;
	[tilespmem:$0x18100] =	vst v63  }
0xa5: {  	v3 =	vld [tilespmem:$0xA0];
	_ =	sdelay $0x4  }
0xa6: {  	v62 =	vshrl.u32 v3, $0x3  }
0xa7: {  	v4 =	vmul.u32 $0x30, v62  }
0xa8: {  	v3 =	vand.u32 $0x7, v3  }
0xa9: {  	v3 =	vor.u32 v3, v4  }
0xaa: {  	v4 =	vperm.xlane v3, v0;
	_ =	sdelay $0x1  }
0xab: {  	v4 =	vadd.s32 v1, v4;
	_ =	sdelay $0x3  }
0xac: {  	v3 =	vperm.xlane v3, v2  }
0xad: {  	[tilespmem:s20], [sflag:$0x1] =	stream.indirect_vreg.gather [hbm4b:s3+s2], $0x80, v4, vm0, $0xb8;
	[tilespmem:$0x18100] =	vst v63  }
0xae: {  	v3 =	vadd.s32 v1, v3  }
0xaf: {  	[tilespmem:s21], [sflag:$0x1] =	stream.indirect_vreg.gather [hbm4b:s4+s2], $0x80, v4, vm0, $0xb8;
	[tilespmem:$0x18100] =	vst v63  }
0xb0: {  	_ = 	snop  }
0xb1: {  	[tilespmem:s22], [sflag:$0x1] =	stream.indirect_vreg.gather [hbm4b:s5+s2], $0x80, v4, vm0, $0xb8;
	[tilespmem:$0x18100] =	vst v63  }
0xb2: {  	_ = 	snop  }
0xb3: {  	[tilespmem:s23], [sflag:$0x1] =	stream.indirect_vreg.gather [hbm4b:s3+s2], $0x80, v3, vm0, $0xb8;
	[tilespmem:$0x18100] =	vst v63  }
0xb4: {  	_ = 	snop  }
0xb5: {  	[tilespmem:s24], [sflag:$0x1] =	stream.indirect_vreg.gather [hbm4b:s4+s2], $0x80, v3, vm0, $0xb8;
	[tilespmem:$0x18100] =	vst v63  }
0xb6: {  	_ = 	snop  }
0xb7: {  	[tilespmem:s25], [sflag:$0x1] =	stream.indirect_vreg.gather [hbm4b:s5+s2], $0x80, v3, vm0, $0xb8;
	[tilespmem:$0x18100] =	vst v63  }
0xb8: {  	v3 =	vld [tilespmem:$0xB0];
	_ =	sdelay $0x4  }
0xb9: {  	v63 =	vshrl.u32 v3, $0x3  }
0xba: {  	v4 =	vmul.u32 $0x30, v63  }
0xbb: {  	v3 =	vand.u32 $0x7, v3  }
0xbc: {  	v3 =	vor.u32 v3, v4  }
0xbd: {  	v4 =	vperm.xlane v3, v0;
	_ =	sdelay $0x1  }
0xbe: {  	v4 =	vadd.s32 v1, v4;
	_ =	sdelay $0x3  }
0xbf: {  	v3 =	vperm.xlane v3, v2  }
0xc0: {  	[tilespmem:s26], [sflag:$0x1] =	stream.indirect_vreg.gather [hbm4b:s3+s2], $0x80, v4, vm0, $0xb8;
	[tilespmem:$0x18100] =	vst v63  }
0xc1: {  	v3 =	vadd.s32 v1, v3  }
0xc2: {  	[tilespmem:s28], [sflag:$0x1] =	stream.indirect_vreg.gather [hbm4b:s4+s2], $0x80, v4, vm0, $0xb8;
	[tilespmem:$0x18100] =	vst v63  }
0xc3: {  	_ = 	snop  }
0xc4: {  	[tilespmem:s29], [sflag:$0x1] =	stream.indirect_vreg.gather [hbm4b:s5+s2], $0x80, v4, vm0, $0xb8;
	[tilespmem:$0x18100] =	vst v63  }
0xc5: {  	_ = 	snop  }
0xc6: {  	[tilespmem:s30], [sflag:$0x1] =	stream.indirect_vreg.gather [hbm4b:s3+s2], $0x80, v3, vm0, $0xb8;
	[tilespmem:$0x18100] =	vst v63  }
0xc7: {  	_ = 	snop  }
0xc8: {  	[tilespmem:s31], [sflag:$0x1] =	stream.indirect_vreg.gather [hbm4b:s4+s2], $0x80, v3, vm0, $0xb8;
	[tilespmem:$0x18100] =	vst v63  }
0xc9: {  	_ = 	snop  }
0xca: {  	[tilespmem:s1], [sflag:$0x1] =	stream.indirect_vreg.gather [hbm4b:s5+s2], $0x80, v3, vm0, $0xb8;
	[tilespmem:$0x18100] =	vst v63  }
0xcb: {  	_ =	swait.ge [sflag:s9], $0xC000  }
0xcc: {  	[sflag:s9] =	ssyncset.done $0x0  }
0xcd: {  	s11 =	rddreg [dreg:$0x5];
	[sflag:s9] =	ssyncadd.s32 $0xFFFF4000  }
0xce: {  	[hbm4b:s11+s2] =	stream.linear.scatter [tilespmem:s8], [sflag:$0x2], $0xC000, $0x38;
	[tilespmem:$0x18100] =	vst v63  }
0xcf: {  	_ =	swait.ge [sflag:s7], $0xC000  }
0xd0: {  	p0 =	sne.s32 s6, $0x1;
	[sflag:s7] =	ssyncset.done $0x0  }
.Ltmp0:
0xd1: {  	s11 =	rddreg [dreg:$0x6];
	[sflag:s7] =	ssyncadd.s32 $0xFFFF4000;
	(pc) =	sbr.rel @p0 .LBB2_1-.Ltmp0, $4  }
0xd2: {  	[hbm4b:s11+s2] =	stream.linear.scatter [tilespmem:s10], [sflag:$0x2], $0xC000, $0x38;
	[tilespmem:$0x18100] =	vst v63  }
0xd3: {  	_ =	swait.ge [sflag:s7], $0xC000  }
0xd4: {  	[sflag:s7] =	ssyncset.done $0x0  }
0xd5: {  	s6 =	sadd.s32 $0xFFFFFFFF, s6;
	[sflag:s7] =	ssyncadd.s32 $0xFFFF4000  }
0xd6: {  	_ =	sfence.sel $0x180000  }
0xd7: {  	[bflag:$0x0] =	sbarrier.arrive $0xFFFF  }
0xd8: {  	_ =	strace $0x9000004A  }
0xd9: {  	s0 =	stileid.u32;
	[bflag:$0x2] =	sbarrier.arrive $0xFFFF  }
0xda: {  	p0 =	sne.s32 s0, $0x0;
	s0 =	rddreg [dreg:$0x2]  }
0xdb: {  	s0 =	sadd.s32 @!p0 $0x100000, s0  }
0xdc: {  	[sflag:s0] =	ssyncadd.tile.s32 @!p0 $0x1;
	_ =	shalt  }
.Lfunc_end2:
_tile_overlayer_lowered:
.L_overlay_start_2:
0xdd: {  	(tag) =	ssettag $0x2  }
0xde: {  	s0 =	rddreg [dreg:$0x0];
	s2 =	stileid.u32  }
0xdf: {  	s1 =	rddreg [dreg:$0x1];
	p0 =	sne.s32 s2, $0x0  }
0xe0: {  	s3 =	rddreg [dreg:$0x2];
	[bflag:$0x3] =	sbarrier.arrive $0xFFFF;
	s2 =	simm.s32 @!p0 $0x1C02  }
0xe1: {  	[timem:s3], [sflag:s2] =	dma.local @!p0 [hbm:s0], s1  }
0xe2: {  	s0 =	simm.s32 @!p0 $0x2  }
0xe3: {  	_ =	swait.ge @!p0 [sflag:s0], s1  }
0xe4: {  	s1 =	ssub.s32 @!p0 $0x0, s1;
	[sflag:s0] =	ssyncset.done @!p0 $0x0  }
0xe5: {  	[sflag:s0] =	ssyncadd.s32 @!p0 s1  }
0xe6: {  	[bflag:$0x3] =	sbarrier.arrive $0xFFFF  }
0xe7: {  	_ =	shalt  }

// kernel: kernel.8.cloned.1.call-start
scs
__scs_entry_jumppad:
0x0: {  	(pc) =	sbr.rel $0x88, $3  }
0x1: {  	(tag) =	ssettag $0x0;
	lr =	simm.s32 $0x1  }
0x2: {  	[smem:$0x3F9D] =	sst lr;
	_ =	strace $0xD0000000  }
0x3: {  	_ = 	snop  }
0x4: {  	_ = 	snop  }
0x5: {  	_ = 	snop  }
0x6: {  	_ = 	snop  }
0x7: {  	_ = 	snop  }
__scs_overlays_trampoline_lowered:
0x8: {  	[smem:$0x3FAC] =	sst s0  }
0x9: {  	[smem:$0x3FAD] =	sst s1  }
0xa: {  	[smem:$0x3FAE] =	sst s2  }
0xb: {  	[smem:$0x3FAF] =	sst s3  }
0xc: {  	[smem:$0x3FB0] =	sst s4  }
0xd: {  	[smem:$0x3FB1] =	sst s5  }
0xe: {  	[smem:$0x3FB2] =	sst s6  }
0xf: {  	[smem:$0x3FB3] =	sst s7  }
0x10: {  	[smem:$0x3FB4] =	sst s8  }
0x11: {  	[smem:$0x3FB5] =	sst s9;
	s0 =	simm.s32 @!p0 $0x0  }
0x12: {  	s1 =	sld [smem:$0x3F9B];
	s0 =	simm.s32 @p0 $0x1  }
0x13: {  	[smem:$0x3FB6] =	sst s0;
	s0 =	simm.s32 @!p1 $0x0  }
0x14: {  	s2 =	sld [smem:$0x3F9A];
	s0 =	simm.s32 @p1 $0x1  }
0x15: {  	[smem:$0x3FB7] =	sst s0;
	s0 =	simm.s32 @!p2 $0x0  }
0x16: {  	s3 =	sld [smem:$0x3FDB];
	s0 =	simm.s32 @p2 $0x1  }
0x17: {  	s4 =	simm.s32 $0x1BF5;
	[smem:$0x3FB9] =	sst s0  }
0x18: {  	s0 =	sld [smem:$0x3F9C];
	_ =	swait.ge [sflag:s4], $0x0  }
0x19: {  	s7 =	sld [smem:$0x3F9D]  }
0x1a: {  	s8 =	sadd.s32 $0xFFFFE003, lr  }
0x1b: {  	s9 =	sadd.s32 $0xFFFFFEF7, lr;
	s5 =	simm.s32 $0xFFFFFFFF;
	p2 =	slt.u32 s8, $0xFFFFF086  }
0x1c: {  	p1 =	slt.u32 s9, $0xF7A;
	s5 =	simm.s32 @!p2 $0x0  }
0x1d: {  	s5 =	simm.s32 @p1 $0x1;
	p0 =	seq.s32 s7, s2  }
0x1e: {  	s7 =	smul.u32 @!p0 $0xF7A, s2;
	p2 =	seq.s32 @!p0 s5, $0x0  }
0x1f: {  	s9 =	smul.u32 $0xF7A, s1;
	s8 =	simm.s32 @!p0 $0x1BF5;
	p2 =	por !p2, p0  }
0x20: {  	[sflag:s8] =	ssyncset.s32 @!p0 $0xFFFFF086;
	s6 =	sadd.s32 @!p0 s3, s7;
	s7 =	simm.s32 @!p0 $0x108  }
0x21: {  	s3 =	sadd.s32 s3, s9;
	s6 =	sadd.s32 @!p0 $0x88, s6;
	s7 =	simm.s32 @p2 $0x1082  }
0x22: {  	[simem:s7], [sflag:s8] =	dma.local @!p0 [hbm:s6], $0xF7A  }
0x23: {  	s9 =	sor.u32 $0xD0000000, s2;
	s6 =	simm.s32 $0x108;
	_ =	swait.ge @!p0 [sflag:s8], $0x0  }
0x24: {  	s3 =	sadd.s32 $0x88, s3;
	s6 =	simm.s32 @!p1 $0x1082;
	[sflag:s4] =	ssyncset.s32 $0xFFFFF086  }
0x25: {  	[simem:s6], [sflag:s4] =	dma.local [hbm:s3], $0xF7A  }
0x26: {  	[smem:$0x3F9D] =	sst s1;
	(tag) =	ssettag s2;
	_ =	strace s9  }
0x27: {  	s1 =	sld [smem:$0x3FAD]  }
0x28: {  	s2 =	sld [smem:$0x3FAE]  }
0x29: {  	s4 =	sld [smem:$0x3FB0]  }
0x2a: {  	p0 =	seq.s32 s5, $0x0;
	s5 =	sld [smem:$0x3FB1]  }
0x2b: {  	s6 =	sld [smem:$0x3FB2]  }
0x2c: {  	s7 =	sld [smem:$0x3FB3]  }
0x2d: {  	s3 =	simm.s32 $0x108;
	s8 =	sld [smem:$0x3FB4]  }
0x2e: {  	s3 =	simm.s32 @!p0 $0x1082;
	s9 =	sld [smem:$0x3FB5]  }
0x2f: {  	lr =	sadd.s32 s0, s3;
	s0 =	sld [smem:$0x3FAC]  }
0x30: {  	s3 =	sld [smem:$0x3FAF]  }
0x31: {  	[smem:$0x3FB8] =	sst s10  }
0x32: {  	s10 =	sld [smem:$0x3FB6];
	_ =	sdelay $0x3  }
0x33: {  	p0 =	seq.s32 s10, $0x1;
	s10 =	sld [smem:$0x3FB8];
	_ =	sdelay $0x3  }
0x34: {  	[smem:$0x3FB8] =	sst s10  }
0x35: {  	s10 =	sld [smem:$0x3FB7];
	_ =	sdelay $0x3  }
0x36: {  	p1 =	seq.s32 s10, $0x1;
	s10 =	sld [smem:$0x3FB8];
	_ =	sdelay $0x3  }
0x37: {  	[smem:$0x3FB8] =	sst s10  }
0x38: {  	s10 =	sld [smem:$0x3FB9]  }
0x39: {  	_ = 	snop;
	(pc) =	sbr.ind lr, $3  }
0x3a: {  	_ = 	snop  }
0x3b: {  	_ = 	snop  }
0x3c: {  	p2 =	seq.s32 s10, $0x1;
	s10 =	sld [smem:$0x3FB8]  }
0x3d: {  	_ =	shalt  }
0x3e: {  	_ =	shalt  }
0x3f: {  	_ =	shalt  }
0x40: {  	_ =	shalt  }
0x41: {  	_ =	shalt  }
0x42: {  	_ =	shalt  }
0x43: {  	_ =	shalt  }
0x44: {  	_ =	shalt  }
0x45: {  	_ =	shalt  }
0x46: {  	_ =	shalt  }
0x47: {  	_ =	shalt  }
0x48: {  	_ =	shalt  }
0x49: {  	_ =	shalt  }
0x4a: {  	_ =	shalt  }
0x4b: {  	_ =	shalt  }
0x4c: {  	_ =	shalt  }
0x4d: {  	_ =	shalt  }
0x4e: {  	_ =	shalt  }
0x4f: {  	_ =	shalt  }
0x50: {  	_ =	shalt  }
0x51: {  	_ =	shalt  }
0x52: {  	_ =	shalt  }
0x53: {  	_ =	shalt  }
0x54: {  	_ =	shalt  }
0x55: {  	_ =	shalt  }
0x56: {  	_ =	shalt  }
0x57: {  	_ =	shalt  }
0x58: {  	_ =	shalt  }
0x59: {  	_ =	shalt  }
0x5a: {  	_ =	shalt  }
0x5b: {  	_ =	shalt  }
0x5c: {  	_ =	shalt  }
0x5d: {  	_ =	shalt  }
0x5e: {  	_ =	shalt  }
0x5f: {  	_ =	shalt  }
0x60: {  	_ =	shalt  }
0x61: {  	_ =	shalt  }
0x62: {  	_ =	shalt  }
0x63: {  	_ =	shalt  }
0x64: {  	_ =	shalt  }
0x65: {  	_ =	shalt  }
0x66: {  	_ =	shalt  }
0x67: {  	_ =	shalt  }
0x68: {  	_ =	shalt  }
0x69: {  	_ =	shalt  }
0x6a: {  	_ =	shalt  }
0x6b: {  	_ =	shalt  }
0x6c: {  	_ =	shalt  }
0x6d: {  	_ =	shalt  }
0x6e: {  	_ =	shalt  }
0x6f: {  	_ =	shalt  }
0x70: {  	_ =	shalt  }
0x71: {  	_ =	shalt  }
0x72: {  	_ =	shalt  }
0x73: {  	_ =	shalt  }
0x74: {  	_ =	shalt  }
0x75: {  	_ =	shalt  }
0x76: {  	_ =	shalt  }
0x77: {  	_ =	shalt  }
0x78: {  	_ =	shalt  }
0x79: {  	_ =	shalt  }
0x7a: {  	_ =	shalt  }
0x7b: {  	_ =	shalt  }
0x7c: {  	_ =	shalt  }
0x7d: {  	_ =	shalt  }
0x7e: {  	_ =	shalt  }
0x7f: {  	_ =	shalt  }
0x80: {  	_ =	shalt  }
0x81: {  	_ =	shalt  }
0x82: {  	_ =	shalt  }
0x83: {  	_ =	shalt  }
0x84: {  	_ =	shalt  }
0x85: {  	_ =	shalt  }
0x86: {  	_ =	shalt  }
0x87: {  	_ =	shalt  }
.Lfunc_end0:
.L_simem_size_0:
called_computation_lowered:
.L_overlay_start_0:
0x88: {  	s2 =	sld [smem:$0x3FD9]  }
0x89: {  	s3 =	sld [smem:$0x3FFE];
	_ =	sdelay $0x1  }
0x8a: {  	s1 =	srdreg.scid  }
0x8b: {  	s0 =	sand.u32 $0x1, s1  }
0x8c: {  	s17 =	sshll.u32 s0, $0xA;
	s2 =	sadd.s32 s3, s2  }
0x8d: {  	s2 =	sadd.s32 s2, s17  }
0x8e: {  	[smem:$0x3FC4] =	sst s2  }
0x8f: {  	_ = 	snop  }
0x90: {  	s2 =	sld [smem:$0x3FC9];
	(tm) =	ssettm $0x1  }
0x91: {  	s18 =	sld [smem:$0x3FFB];
	_ =	sdelay $0x3  }
0x92: {  	_ =	strace s18  }
0x93: {  	s3 =	sld [smem:$0x3FFC];
	_ =	sdelay $0x3  }
0x94: {  	_ =	strace s3  }
0x95: {  	s3 =	sld [smem:$0x3FFD];
	_ =	sdelay $0x3  }
0x96: {  	_ =	strace s3  }
0x97: {  	_ =	strace $0x8FFFFFFF  }
0x98: {  	s19 =	sld [smem:$0x3FDB];
	_ =	sdelay $0x1  }
0x99: {  	s4 =	simm.s32 $_scs_section_size  }
0x9a: {  	s5 =	simm.s32 $_size__tile_overlayer_lowered;
	s6 =	simm.s32 $_tile_overlayer_lowered  }
0x9b: {  	s22 =	simm.s32 $0x1BFF;
	s21 =	sshll.u32 s6, $0x1;
	s3 =	sadd.s32 s4, s19  }
0x9c: {  	s7 =	simm.s32 $0x0;
	s20 =	sshll.u32 s5, $0x1;
	s5 =	sadd.s32 s21, s3  }
0x9d: {  	[timem:s7], [sflag:s22] =	dma.local [hbm:s5], s20  }
0x9e: {  	_ =	swait.ge [sflag:s22], s20  }
0x9f: {  	s4 =	ssub.s32 $0x0, s20;
	[sflag:s22] =	ssyncset.done $0x0  }
0xa0: {  	[sflag:s22] =	ssyncadd.s32 s4;
	_ =	sdelay $0x1  }
0xa1: {  	s23 =	simm.s32 $0x1B8B  }
0xa2: {  	_ =	swait.ge [sflag:s23], $0x1  }
0xa3: {  	[sflag:s23] =	ssyncset.done $0x0  }
0xa4: {  	s25 =	simm.s32 $0x1B8E;
	s24 =	sld [smem:$0x3FFE];
	[sflag:s23] =	ssyncadd.s32 $0xFFFFFFFF  }
0xa5: {  	s26 =	simm.s32 $execute0_lowered;
	[smem:$0x3FD2] =	sst s25  }
0xa6: {  	s5 =	sshll.u32 s26, $0x1;
	_ =	strace $0x80000046;
	[dreg:$0x1] =	wrdreg $0xFFFFFFFF  }
0xa7: {  	s28 =	simm.s32 $_size_execute0_lowered;
	s3 =	sadd.s32 s3, s5;
	[dreg:$0x0] =	wrdreg $0x0  }
0xa8: {  	s5 =	sshll.u32 s28, $0x1;
	[dreg:$0x2] =	wrdreg s3  }
0xa9: {  	[dreg:$0x3] =	wrdreg s5  }
0xaa: {  	[dreg:$0x4] =	wrdreg $0xC0  }
0xab: {  	_ =	task [dreg:s7], $0x5FFFF  }
0xac: {  	[dreg:$0x1] =	wrdreg $0xFFFFFFFF  }
0xad: {  	[dreg:$0x0] =	wrdreg $0x60  }
0xae: {  	[dreg:$0x2] =	wrdreg s2  }
0xaf: {  	[dreg:$0x3] =	wrdreg s24  }
0xb0: {  	[dreg:$0x4] =	wrdreg $0x9  }
0xb1: {  	_ =	task.clear_ibuf [dreg:s7], $0x5FFFF;
	_ =	strace $0x90000046  }
0xb2: {  	s29 =	simm.s32 $0x9;
	_ =	strace $0x80000048  }
0xb3: {  	_ =	swait.ge [sflag:s29], $0x1  }
0xb4: {  	[sflag:s29] =	ssyncadd.s32 $0xFFFFFFFF  }
0xb5: {  	_ =	strace $0x90000048  }
0xb6: {  	_ =	sfence  }
0xb7: {  	s30 =	sld [smem:$0x0];
	_ =	sdelay $0x2  }
0xb8: {  	s31 =	sshll.u32 s1, $0xD;
	s1 =	sshrl.u32 s1, $0x2  }
0xb9: {  	s3 =	sand.u32 $0x4000, s31;
	s1 =	sadd.s32 s1, s30  }
0xba: {  	s0 =	sor.u32 s3, s0;
	s1 =	sshll.u32 s1, $0x11  }
0xbb: {  	s0 =	sor.u32 s1, s0  }
0xbc: {  	s0 =	sadd.s32 $0x8F2B, s0  }
0xbd: {  	[sflag:s0] =	ssyncadd.remote.s32 $0x1  }
0xbe: {  	_ =	sfence.sel $0xFFFF  }
0xbf: {  	[dreg:$0x0] =	wrdreg $0xFFFFFFFF;
	(pc) =	sbr.abs _section_cstart, $3  }
0xc0: {  	[dreg:$0x1] =	wrdreg $0xFFFFFFFF  }
0xc1: {  	_ =	task.clear_ibuf [dreg:s7], $0x2FFFF;
	_ =	strace $0x9FFFFFFF  }
0xc2: {  	(tm) =	ssettm $0x7FFFFFFF  }
0xc3: {  	_ =	shalt  }
tec
execute0_lowered:
.L_overlay_start_1:
0x0: {  	(tag) =	ssettag $0x1  }
0x1: {  	s0 =	rddreg [dreg:$0x0]  }
0x2: {  	s1 =	rddreg [dreg:$0x1]  }
0x3: {  	s2 =	srdreg.scid;
	s5 =	stileid.u32  }
0x4: {  	s26 =	simm.s32 $0x80;
	s8 =	simm.s32 $0x100;
	s11 =	simm.s32 $0x1900  }
0x5: {  	s12 =	simm.s32 $0x2100;
	s13 =	simm.s32 $0x2900;
	s14 =	simm.s32 $0x3100  }
0x6: {  	s15 =	simm.s32 $0x3900;
	s16 =	simm.s32 $0x4100;
	s17 =	simm.s32 $0x4900  }
0x7: {  	s18 =	simm.s32 $0x5100;
	s19 =	simm.s32 $0x5900;
	s20 =	simm.s32 $0x6100  }
0x8: {  	s21 =	simm.s32 $0x6900;
	s22 =	simm.s32 $0x7100;
	s23 =	simm.s32 $0x7900  }
0x9: {  	s28 =	simm.s32 $0x9900;
	s29 =	simm.s32 $0xA100;
	s30 =	simm.s32 $0xA900  }
0xa: {  	s31 =	simm.s32 $0xB100;
	s4 =	sand.u32 $0x1, s2;
	s2 =	simm.s32 $0x0  }
0xb: {  	s5 =	sshll.u32 s5, $0x3;
	s3 =	sshll.u32 s4, $0x7;
	[smem:$0x7FF] =	sst s2  }
0xc: {  	s4 =	ssub.s32 $0x2, s4;
	s5 =	sor.u32 s5, s3;
	_ =	strace $0x80000047  }
0xd: {  	s3 =	sadd.s32 $0x10800, s1;
	s24 =	sshrl.u32 s4, $0x1;
	[dreg:$0x6] =	wrdreg s26  }
0xe: {  	s26 =	simm.s32 $0x9100;
	s6 =	sadd.s32 s5, s1;
	s5 =	smul.u32 $0x300, s5  }
0xf: {  	s25 =	ssub.s32 s4, s24;
	s4 =	sadd.s32 $0x10900, s1;
	s7 =	sadd.s32 $0x10400, s6  }
0x10: {  	s24 =	simm.s32 $0x8100;
	s6 =	sadd.s32 $0x10600, s6;
	[dreg:$0x3] =	wrdreg s7  }
0x11: {  	v2 =	vlaneseq.u32;
	[dreg:$0x4] =	wrdreg s6;
	s0 =	sadd.s32 s0, s5;
	s5 =	sadd.s32 $0x10A00, s1  }
0x12: {  	vm0 =	vmmov $0xffff;
	v1 =	vshrl.u32 v2, $0x3;
	s6 =	smax.u32 s25, $0x1;
	s7 =	simm.s32 $0x2;
	s25 =	simm.s32 $0x8900  }
0x13: {  	v0 =	vand.u32 $0x7, v2;
	v2 =	vor.u32 $0x8, v2;
	v1 =	vmul.u32 $0x8, v1;
	s1 =	simm.s32 $0x1;
	[dreg:$0x5] =	wrdreg s0;
	s0 =	simm.s32 $0xB900  }
.LBB2_1:
0x14: {  	s9 =	rddreg [dreg:$0x3]  }
0x15: {  	[tilespmem:s2], [sflag:$0x2] =	stream.linear.gather [hbm4b:s9+s2], $0x40, $0x38;
	[tilespmem:$0xC100] =	vst v63  }
0x16: {  	_ =	swait.ge [sflag:s7], $0x40  }
0x17: {  	s9 =	rddreg [dreg:$0x4];
	[sflag:s7] =	ssyncset.done $0x0  }
0x18: {  	s10 =	rddreg [dreg:$0x6];
	[sflag:s7] =	ssyncadd.s32 $0xFFFFFFC0  }
0x19: {  	[tilespmem:s10], [sflag:$0x2] =	stream.linear.gather [hbm4b:s9+s2], $0x40, $0x38;
	[tilespmem:$0xC100] =	vst v63  }
0x1a: {  	_ =	swait.ge [sflag:s7], $0x40  }
0x1b: {  	[sflag:s7] =	ssyncset.done $0x0  }
0x1c: {  	s10 =	rddreg [dreg:$0x5];
	[sflag:s7] =	ssyncadd.s32 $0xFFFFFFC0  }
0x1d: {  	[tilespmem:s8], [sflag:$0x2] =	stream.linear.gather [hbm4b:s10+s2], $0xC000, $0x38;
	[tilespmem:$0xC100] =	vst v63  }
0x1e: {  	_ =	swait.ge [sflag:s7], $0xC000  }
0x1f: {  	[sflag:s7] =	ssyncset.done $0x0  }
0x20: {  	[sflag:s7] =	ssyncadd.s32 $0xFFFF4000  }
0x21: {  	v3 =	vld [tilespmem:$0x0];
	_ =	sdelay $0x4  }
0x22: {  	v4 =	vshrl.u32 v3, $0x3  }
0x23: {  	v4 =	vmul.u32 $0x30, v4  }
0x24: {  	v3 =	vand.u32 $0x7, v3  }
0x25: {  	v3 =	vor.u32 v3, v4  }
0x26: {  	v4 =	vperm.xlane v3, v0;
	_ =	sdelay $0x1  }
0x27: {  	v4 =	vadd.s32 v1, v4;
	_ =	sdelay $0x3  }
0x28: {  	v3 =	vperm.xlane v3, v2  }
0x29: {  	[hbm4b:s3+s2] =	stream.indirect_vreg.scatter [tilespmem:s8], [sflag:$0x1], $0x80, v4, vm0, $0xb8;
	[tilespmem:$0xC100] =	vst v63  }
0x2a: {  	s9 =	simm.s32 $0x900;
	v3 =	vadd.s32 v1, v3  }
0x2b: {  	[hbm4b:s4+s2] =	stream.indirect_vreg.scatter [tilespmem:s9], [sflag:$0x1], $0x80, v4, vm0, $0xb8;
	[tilespmem:$0xC100] =	vst v63  }
0x2c: {  	s10 =	simm.s32 $0x1100  }
0x2d: {  	[hbm4b:s5+s2] =	stream.indirect_vreg.scatter [tilespmem:s10], [sflag:$0x1], $0x80, v4, vm0, $0xb8;
	[tilespmem:$0xC100] =	vst v63  }
0x2e: {  	_ = 	snop  }
0x2f: {  	[hbm4b:s3+s2] =	stream.indirect_vreg.scatter [tilespmem:s11], [sflag:$0x1], $0x80, v3, vm0, $0xb8;
	[tilespmem:$0xC100] =	vst v63  }
0x30: {  	_ = 	snop  }
0x31: {  	[hbm4b:s4+s2] =	stream.indirect_vreg.scatter [tilespmem:s12], [sflag:$0x1], $0x80, v3, vm0, $0xb8;
	[tilespmem:$0xC100] =	vst v63  }
0x32: {  	_ = 	snop  }
0x33: {  	[hbm4b:s5+s2] =	stream.indirect_vreg.scatter [tilespmem:s13], [sflag:$0x1], $0x80, v3, vm0, $0xb8;
	[tilespmem:$0xC100] =	vst v63  }
0x34: {  	v3 =	vld [tilespmem:$0x10];
	_ =	sdelay $0x4  }
0x35: {  	v57 =	vshrl.u32 v3, $0x3  }
0x36: {  	v4 =	vmul.u32 $0x30, v57  }
0x37: {  	v3 =	vand.u32 $0x7, v3  }
0x38: {  	v3 =	vor.u32 v3, v4  }
0x39: {  	v4 =	vperm.xlane v3, v0;
	_ =	sdelay $0x1  }
0x3a: {  	v4 =	vadd.s32 v1, v4;
	_ =	sdelay $0x3  }
0x3b: {  	v3 =	vperm.xlane v3, v2  }
0x3c: {  	[hbm4b:s3+s2] =	stream.indirect_vreg.scatter [tilespmem:s14], [sflag:$0x1], $0x80, v4, vm0, $0xb8;
	[tilespmem:$0xC100] =	vst v63  }
0x3d: {  	v3 =	vadd.s32 v1, v3  }
0x3e: {  	[hbm4b:s4+s2] =	stream.indirect_vreg.scatter [tilespmem:s15], [sflag:$0x1], $0x80, v4, vm0, $0xb8;
	[tilespmem:$0xC100] =	vst v63  }
0x3f: {  	_ = 	snop  }
0x40: {  	[hbm4b:s5+s2] =	stream.indirect_vreg.scatter [tilespmem:s16], [sflag:$0x1], $0x80, v4, vm0, $0xb8;
	[tilespmem:$0xC100] =	vst v63  }
0x41: {  	_ = 	snop  }
0x42: {  	[hbm4b:s3+s2] =	stream.indirect_vreg.scatter [tilespmem:s17], [sflag:$0x1], $0x80, v3, vm0, $0xb8;
	[tilespmem:$0xC100] =	vst v63  }
0x43: {  	_ = 	snop  }
0x44: {  	[hbm4b:s4+s2] =	stream.indirect_vreg.scatter [tilespmem:s18], [sflag:$0x1], $0x80, v3, vm0, $0xb8;
	[tilespmem:$0xC100] =	vst v63  }
0x45: {  	_ = 	snop  }
0x46: {  	[hbm4b:s5+s2] =	stream.indirect_vreg.scatter [tilespmem:s19], [sflag:$0x1], $0x80, v3, vm0, $0xb8;
	[tilespmem:$0xC100] =	vst v63  }
0x47: {  	v3 =	vld [tilespmem:$0x20];
	_ =	sdelay $0x4  }
0x48: {  	v58 =	vshrl.u32 v3, $0x3  }
0x49: {  	v4 =	vmul.u32 $0x30, v58  }
0x4a: {  	v3 =	vand.u32 $0x7, v3  }
0x4b: {  	v3 =	vor.u32 v3, v4  }
0x4c: {  	v4 =	vperm.xlane v3, v0;
	_ =	sdelay $0x1  }
0x4d: {  	v4 =	vadd.s32 v1, v4;
	_ =	sdelay $0x3  }
0x4e: {  	v3 =	vperm.xlane v3, v2  }
0x4f: {  	[hbm4b:s3+s2] =	stream.indirect_vreg.scatter [tilespmem:s20], [sflag:$0x1], $0x80, v4, vm0, $0xb8;
	[tilespmem:$0xC100] =	vst v63  }
0x50: {  	v3 =	vadd.s32 v1, v3  }
0x51: {  	[hbm4b:s4+s2] =	stream.indirect_vreg.scatter [tilespmem:s21], [sflag:$0x1], $0x80, v4, vm0, $0xb8;
	[tilespmem:$0xC100] =	vst v63  }
0x52: {  	_ = 	snop  }
0x53: {  	[hbm4b:s5+s2] =	stream.indirect_vreg.scatter [tilespmem:s22], [sflag:$0x1], $0x80, v4, vm0, $0xb8;
	[tilespmem:$0xC100] =	vst v63  }
0x54: {  	_ = 	snop  }
0x55: {  	[hbm4b:s3+s2] =	stream.indirect_vreg.scatter [tilespmem:s23], [sflag:$0x1], $0x80, v3, vm0, $0xb8;
	[tilespmem:$0xC100] =	vst v63  }
0x56: {  	_ = 	snop  }
0x57: {  	[hbm4b:s4+s2] =	stream.indirect_vreg.scatter [tilespmem:s24], [sflag:$0x1], $0x80, v3, vm0, $0xb8;
	[tilespmem:$0xC100] =	vst v63  }
0x58: {  	_ = 	snop  }
0x59: {  	[hbm4b:s5+s2] =	stream.indirect_vreg.scatter [tilespmem:s25], [sflag:$0x1], $0x80, v3, vm0, $0xb8;
	[tilespmem:$0xC100] =	vst v63  }
0x5a: {  	v3 =	vld [tilespmem:$0x30];
	_ =	sdelay $0x4  }
0x5b: {  	v59 =	vshrl.u32 v3, $0x3  }
0x5c: {  	v4 =	vmul.u32 $0x30, v59  }
0x5d: {  	v3 =	vand.u32 $0x7, v3  }
0x5e: {  	v3 =	vor.u32 v3, v4  }
0x5f: {  	v4 =	vperm.xlane v3, v0;
	_ =	sdelay $0x1  }
0x60: {  	v4 =	vadd.s32 v1, v4;
	_ =	sdelay $0x3  }
0x61: {  	v3 =	vperm.xlane v3, v2  }
0x62: {  	[hbm4b:s3+s2] =	stream.indirect_vreg.scatter [tilespmem:s26], [sflag:$0x1], $0x80, v4, vm0, $0xb8;
	[tilespmem:$0xC100] =	vst v63  }
0x63: {  	v3 =	vadd.s32 v1, v3  }
0x64: {  	[hbm4b:s4+s2] =	stream.indirect_vreg.scatter [tilespmem:s28], [sflag:$0x1], $0x80, v4, vm0, $0xb8;
	[tilespmem:$0xC100] =	vst v63  }
0x65: {  	_ = 	snop  }
0x66: {  	[hbm4b:s5+s2] =	stream.indirect_vreg.scatter [tilespmem:s29], [sflag:$0x1], $0x80, v4, vm0, $0xb8;
	[tilespmem:$0xC100] =	vst v63  }
0x67: {  	_ = 	snop  }
0x68: {  	[hbm4b:s3+s2] =	stream.indirect_vreg.scatter [tilespmem:s30], [sflag:$0x1], $0x80, v3, vm0, $0xb8;
	[tilespmem:$0xC100] =	vst v63  }
0x69: {  	_ = 	snop  }
0x6a: {  	[hbm4b:s4+s2] =	stream.indirect_vreg.scatter [tilespmem:s31], [sflag:$0x1], $0x80, v3, vm0, $0xb8;
	[tilespmem:$0xC100] =	vst v63  }
0x6b: {  	_ = 	snop  }
0x6c: {  	[hbm4b:s5+s2] =	stream.indirect_vreg.scatter [tilespmem:s0], [sflag:$0x1], $0x80, v3, vm0, $0xb8;
	[tilespmem:$0xC100] =	vst v63  }
0x6d: {  	_ =	swait.ge [sflag:s1], $0xC000  }
0x6e: {  	[sflag:s1] =	ssyncset.done $0x0  }
0x6f: {  	[sflag:s1] =	ssyncadd.s32 $0xFFFF4000  }
0x70: {  	v3 =	vld [tilespmem:$0x80];
	_ =	sdelay $0x4  }
0x71: {  	v60 =	vshrl.u32 v3, $0x3  }
0x72: {  	v4 =	vmul.u32 $0x30, v60  }
0x73: {  	v3 =	vand.u32 $0x7, v3  }
0x74: {  	v3 =	vor.u32 v3, v4  }
0x75: {  	v4 =	vperm.xlane v3, v0;
	_ =	sdelay $0x1  }
0x76: {  	v4 =	vadd.s32 v1, v4;
	_ =	sdelay $0x3  }
0x77: {  	v3 =	vperm.xlane v3, v2  }
0x78: {  	[hbm4b:s3+s2] =	stream.indirect_vreg.scatter [tilespmem:s8], [sflag:$0x1], $0x80, v4, vm0, $0xb8;
	[tilespmem:$0xC100] =	vst v63  }
0x79: {  	v3 =	vadd.s32 v1, v3  }
0x7a: {  	[hbm4b:s4+s2] =	stream.indirect_vreg.scatter [tilespmem:s9], [sflag:$0x1], $0x80, v4, vm0, $0xb8;
	[tilespmem:$0xC100] =	vst v63  }
0x7b: {  	_ = 	snop  }
0x7c: {  	[hbm4b:s5+s2] =	stream.indirect_vreg.scatter [tilespmem:s10], [sflag:$0x1], $0x80, v4, vm0, $0xb8;
	[tilespmem:$0xC100] =	vst v63  }
0x7d: {  	_ = 	snop  }
0x7e: {  	[hbm4b:s3+s2] =	stream.indirect_vreg.scatter [tilespmem:s11], [sflag:$0x1], $0x80, v3, vm0, $0xb8;
	[tilespmem:$0xC100] =	vst v63  }
0x7f: {  	_ = 	snop  }
0x80: {  	[hbm4b:s4+s2] =	stream.indirect_vreg.scatter [tilespmem:s12], [sflag:$0x1], $0x80, v3, vm0, $0xb8;
	[tilespmem:$0xC100] =	vst v63  }
0x81: {  	_ = 	snop  }
0x82: {  	[hbm4b:s5+s2] =	stream.indirect_vreg.scatter [tilespmem:s13], [sflag:$0x1], $0x80, v3, vm0, $0xb8;
	[tilespmem:$0xC100] =	vst v63  }
0x83: {  	v3 =	vld [tilespmem:$0x90];
	_ =	sdelay $0x4  }
0x84: {  	v61 =	vshrl.u32 v3, $0x3  }
0x85: {  	v4 =	vmul.u32 $0x30, v61  }
0x86: {  	v3 =	vand.u32 $0x7, v3  }
0x87: {  	v3 =	vor.u32 v3, v4  }
0x88: {  	v4 =	vperm.xlane v3, v0;
	_ =	sdelay $0x1  }
0x89: {  	v4 =	vadd.s32 v1, v4;
	_ =	sdelay $0x3  }
0x8a: {  	v3 =	vperm.xlane v3, v2  }
0x8b: {  	[hbm4b:s3+s2] =	stream.indirect_vreg.scatter [tilespmem:s14], [sflag:$0x1], $0x80, v4, vm0, $0xb8;
	[tilespmem:$0xC100] =	vst v63  }
0x8c: {  	v3 =	vadd.s32 v1, v3  }
0x8d: {  	[hbm4b:s4+s2] =	stream.indirect_vreg.scatter [tilespmem:s15], [sflag:$0x1], $0x80, v4, vm0, $0xb8;
	[tilespmem:$0xC100] =	vst v63  }
0x8e: {  	_ = 	snop  }
0x8f: {  	[hbm4b:s5+s2] =	stream.indirect_vreg.scatter [tilespmem:s16], [sflag:$0x1], $0x80, v4, vm0, $0xb8;
	[tilespmem:$0xC100] =	vst v63  }
0x90: {  	_ = 	snop  }
0x91: {  	[hbm4b:s3+s2] =	stream.indirect_vreg.scatter [tilespmem:s17], [sflag:$0x1], $0x80, v3, vm0, $0xb8;
	[tilespmem:$0xC100] =	vst v63  }
0x92: {  	_ = 	snop  }
0x93: {  	[hbm4b:s4+s2] =	stream.indirect_vreg.scatter [tilespmem:s18], [sflag:$0x1], $0x80, v3, vm0, $0xb8;
	[tilespmem:$0xC100] =	vst v63  }
0x94: {  	_ = 	snop  }
0x95: {  	[hbm4b:s5+s2] =	stream.indirect_vreg.scatter [tilespmem:s19], [sflag:$0x1], $0x80, v3, vm0, $0xb8;
	[tilespmem:$0xC100] =	vst v63  }
0x96: {  	v3 =	vld [tilespmem:$0xA0];
	_ =	sdelay $0x4  }
0x97: {  	v62 =	vshrl.u32 v3, $0x3  }
0x98: {  	v4 =	vmul.u32 $0x30, v62  }
0x99: {  	v3 =	vand.u32 $0x7, v3  }
0x9a: {  	v3 =	vor.u32 v3, v4  }
0x9b: {  	v4 =	vperm.xlane v3, v0;
	_ =	sdelay $0x1  }
0x9c: {  	v4 =	vadd.s32 v1, v4;
	_ =	sdelay $0x3  }
0x9d: {  	v3 =	vperm.xlane v3, v2  }
0x9e: {  	[hbm4b:s3+s2] =	stream.indirect_vreg.scatter [tilespmem:s20], [sflag:$0x1], $0x80, v4, vm0, $0xb8;
	[tilespmem:$0xC100] =	vst v63  }
0x9f: {  	v3 =	vadd.s32 v1, v3  }
0xa0: {  	[hbm4b:s4+s2] =	stream.indirect_vreg.scatter [tilespmem:s21], [sflag:$0x1], $0x80, v4, vm0, $0xb8;
	[tilespmem:$0xC100] =	vst v63  }
0xa1: {  	_ = 	snop  }
0xa2: {  	[hbm4b:s5+s2] =	stream.indirect_vreg.scatter [tilespmem:s22], [sflag:$0x1], $0x80, v4, vm0, $0xb8;
	[tilespmem:$0xC100] =	vst v63  }
0xa3: {  	_ = 	snop  }
0xa4: {  	[hbm4b:s3+s2] =	stream.indirect_vreg.scatter [tilespmem:s23], [sflag:$0x1], $0x80, v3, vm0, $0xb8;
	[tilespmem:$0xC100] =	vst v63  }
0xa5: {  	_ = 	snop  }
0xa6: {  	[hbm4b:s4+s2] =	stream.indirect_vreg.scatter [tilespmem:s24], [sflag:$0x1], $0x80, v3, vm0, $0xb8;
	[tilespmem:$0xC100] =	vst v63  }
0xa7: {  	_ = 	snop  }
0xa8: {  	[hbm4b:s5+s2] =	stream.indirect_vreg.scatter [tilespmem:s25], [sflag:$0x1], $0x80, v3, vm0, $0xb8;
	[tilespmem:$0xC100] =	vst v63  }
0xa9: {  	v3 =	vld [tilespmem:$0xB0];
	_ =	sdelay $0x4  }
0xaa: {  	v63 =	vshrl.u32 v3, $0x3  }
0xab: {  	v4 =	vmul.u32 $0x30, v63  }
0xac: {  	v3 =	vand.u32 $0x7, v3  }
0xad: {  	v3 =	vor.u32 v3, v4  }
0xae: {  	v4 =	vperm.xlane v3, v0;
	_ =	sdelay $0x1  }
0xaf: {  	v4 =	vadd.s32 v1, v4;
	_ =	sdelay $0x3  }
0xb0: {  	v3 =	vperm.xlane v3, v2  }
0xb1: {  	[hbm4b:s3+s2] =	stream.indirect_vreg.scatter [tilespmem:s26], [sflag:$0x1], $0x80, v4, vm0, $0xb8;
	[tilespmem:$0xC100] =	vst v63  }
0xb2: {  	v3 =	vadd.s32 v1, v3  }
0xb3: {  	[hbm4b:s4+s2] =	stream.indirect_vreg.scatter [tilespmem:s28], [sflag:$0x1], $0x80, v4, vm0, $0xb8;
	[tilespmem:$0xC100] =	vst v63  }
0xb4: {  	_ = 	snop  }
0xb5: {  	[hbm4b:s5+s2] =	stream.indirect_vreg.scatter [tilespmem:s29], [sflag:$0x1], $0x80, v4, vm0, $0xb8;
	[tilespmem:$0xC100] =	vst v63  }
0xb6: {  	_ = 	snop  }
0xb7: {  	[hbm4b:s3+s2] =	stream.indirect_vreg.scatter [tilespmem:s30], [sflag:$0x1], $0x80, v3, vm0, $0xb8;
	[tilespmem:$0xC100] =	vst v63  }
0xb8: {  	p0 =	sne.s32 s6, $0x1  }
0xb9: {  	[hbm4b:s4+s2] =	stream.indirect_vreg.scatter [tilespmem:s31], [sflag:$0x1], $0x80, v3, vm0, $0xb8;
	[tilespmem:$0xC100] =	vst v63  }
.Ltmp0:
0xba: {  	_ = 	snop;
	(pc) =	sbr.rel @p0 .LBB2_1-.Ltmp0, $4  }
0xbb: {  	[hbm4b:s5+s2] =	stream.indirect_vreg.scatter [tilespmem:s0], [sflag:$0x1], $0x80, v3, vm0, $0xb8;
	[tilespmem:$0xC100] =	vst v63  }
0xbc: {  	_ =	swait.ge [sflag:s1], $0xC000  }
0xbd: {  	[sflag:s1] =	ssyncset.done $0x0  }
0xbe: {  	s6 =	sadd.s32 $0xFFFFFFFF, s6;
	[sflag:s1] =	ssyncadd.s32 $0xFFFF4000  }
0xbf: {  	_ =	sfence.sel $0x180000  }
0xc0: {  	[bflag:$0x0] =	sbarrier.arrive $0xFFFF  }
0xc1: {  	_ =	strace $0x90000047  }
0xc2: {  	s0 =	stileid.u32;
	[bflag:$0x2] =	sbarrier.arrive $0xFFFF  }
0xc3: {  	p0 =	sne.s32 s0, $0x0;
	s0 =	rddreg [dreg:$0x2]  }
0xc4: {  	s0 =	sadd.s32 @!p0 $0x100000, s0  }
0xc5: {  	[sflag:s0] =	ssyncadd.tile.s32 @!p0 $0x1;
	_ =	shalt  }
.Lfunc_end2:
_tile_overlayer_lowered:
.L_overlay_start_2:
0xc6: {  	(tag) =	ssettag $0x2  }
0xc7: {  	s0 =	rddreg [dreg:$0x0];
	s2 =	stileid.u32  }
0xc8: {  	s1 =	rddreg [dreg:$0x1];
	p0 =	sne.s32 s2, $0x0  }
0xc9: {  	s3 =	rddreg [dreg:$0x2];
	[bflag:$0x3] =	sbarrier.arrive $0xFFFF;
	s2 =	simm.s32 @!p0 $0x1C02  }
0xca: {  	[timem:s3], [sflag:s2] =	dma.local @!p0 [hbm:s0], s1  }
0xcb: {  	s0 =	simm.s32 @!p0 $0x2  }
0xcc: {  	_ =	swait.ge @!p0 [sflag:s0], s1  }
0xcd: {  	s1 =	ssub.s32 @!p0 $0x0, s1;
	[sflag:s0] =	ssyncset.done @!p0 $0x0  }
0xce: {  	[sflag:s0] =	ssyncadd.s32 @!p0 s1  }
0xcf: {  	[bflag:$0x3] =	sbarrier.arrive $0xFFFF  }
0xd0: {  	_ =	shalt  }

</sc_bundles>
